<compile_context>
chip_gen: v7x
topology: tpu7x:2x2x1
jax: 0.10.2.dev20260603
libtpu: 0.0.44.dev20260713+nightly
codegen_flags: <defaults>
</compile_context>

<pallas_src>
import functools

import jax
import jax.numpy as jnp
from jax import lax
from jax.experimental import pallas as pl
from jax.experimental.pallas import tpu as pltpu
from jax.experimental.pallas import tpu_sc as plsc

DIM = 1024
N = 4
E = 8
CHUNK = DIM // N
B = 2048

TT = 128
P = B + E * TT
NEXP_TILES = P // TT
ROWS_PER_TILE = TT * N

RT = 512
NRT = B // RT

NW = 32
TOK_PER_W = B // NW


def _router_body(x_ref, wr_ref, pos_ref, te_ref, aux_ref,
                 idx_sc, rank_sc, run_ref):
    i = pl.program_id(0)

    @pl.when(i == 0)
    def _():
        run_ref[...] = jnp.zeros_like(run_ref)

    @pl.when(i < NRT)
    def _():
        xb = x_ref[...]
        logits = jax.lax.dot_general(
            xb, wr_ref[...], (((1,), (1,)), ((), ())),
            preferred_element_type=jnp.float32)
        probs = jax.nn.softmax(logits, axis=-1)
        idxf = jnp.argmax(logits, axis=-1).astype(jnp.float32)
        idxc = idxf.reshape(RT, 1)

        lane_e = jax.lax.broadcasted_iota(jnp.int32, (RT, E), 1)
        onehot = (idxc == lane_e.astype(jnp.float32)).astype(jnp.float32)
        counts = jnp.sum(onehot, axis=0, keepdims=True)
        probsum = jnp.sum(probs, axis=0, keepdims=True)

        r_i = jax.lax.broadcasted_iota(jnp.int32, (RT, RT), 0)
        c_i = jax.lax.broadcasted_iota(jnp.int32, (RT, RT), 1)
        ltri = (r_i > c_i).astype(jnp.float32)
        pref = jax.lax.dot_general(
            ltri, onehot, (((1,), (0,)), ((), ())),
            preferred_element_type=jnp.float32)
        rank = jnp.sum((pref + run_ref[0:1, :]) * onehot, axis=1)

        idx_sc[pl.ds(i * (RT // 128), RT // 128), :] = idxf.reshape(
            RT // 128, 128)
        rank_sc[pl.ds(i * (RT // 128), RT // 128), :] = rank.reshape(
            RT // 128, 128)
        run_ref[0:1, :] = run_ref[0:1, :] + counts
        run_ref[1:2, :] = run_ref[1:2, :] + probsum

    @pl.when(i == NRT)
    def _():
        counts = run_ref[0:1, :]
        probsum = run_ref[1:2, :]
        al = jnp.ceil(counts / TT) * TT
        r8 = jax.lax.broadcasted_iota(jnp.int32, (E, E), 0)
        c8 = jax.lax.broadcasted_iota(jnp.int32, (E, E), 1)
        l8 = (r8 < c8).astype(jnp.float32)
        starts = jax.lax.dot_general(
            al, l8, (((1,), (0,)), ((), ())),
            preferred_element_type=jnp.float32)
        ends = starts + al
        reals = starts + counts

        lane8 = jax.lax.broadcasted_iota(jnp.int32, (1, E), 1)
        idx_all = idx_sc[...]
        pos = rank_sc[...]
        tile_base = (jax.lax.broadcasted_iota(jnp.int32, (1, 128), 1)
                     .astype(jnp.float32) * TT)
        te = jnp.zeros((1, 128), jnp.float32)
        for e in range(E):
            sel = (lane8 == e).astype(jnp.float32)
            s_e = jnp.sum(starts * sel)
            end_e = jnp.sum(ends * sel)
            pos = pos + jnp.where(idx_all == float(e), s_e, 0.0)
            te = te + (tile_base >= end_e).astype(jnp.float32)
        te = jnp.minimum(te, float(E - 1))
        re_row = jnp.zeros((1, 128), jnp.float32)
        for e in range(E):
            sel = (lane8 == e).astype(jnp.float32)
            re_e = jnp.sum(reals * sel)
            re_row = re_row + jnp.where(te == float(e), re_e, 0.0)
        inactive = (tile_base >= re_row).astype(jnp.float32)
        packed = (te + 8.0 * inactive).astype(jnp.int32)
        pos_ref[...] = pos.astype(jnp.int32)
        te_ref[...] = jnp.broadcast_to(packed, (8, 128))
        aux_ref[0, 0] = (jnp.sum(counts * probsum)
                         * jnp.float32(E) / jnp.float32(B * B))


def _run_router(flat, Wr):
    return pl.pallas_call(
        _router_body,
        grid=(NRT + 1,),
        in_specs=[
            pl.BlockSpec((RT, DIM), lambda i: (jnp.minimum(i, NRT - 1), 0)),
            pl.BlockSpec((E, DIM), lambda i: (0, 0)),
        ],
        out_specs=[
            pl.BlockSpec((B // 128, 128), lambda i: (0, 0)),
            pl.BlockSpec((8, 128), lambda i: (0, 0)),
            pl.BlockSpec(memory_space=pltpu.SMEM),
        ],
        out_shape=[
            jax.ShapeDtypeStruct((B // 128, 128), jnp.int32),
            jax.ShapeDtypeStruct((8, 128), jnp.int32),
            jax.ShapeDtypeStruct((1, 1), jnp.float32),
        ],
        scratch_shapes=[
            pltpu.VMEM((B // 128, 128), jnp.float32),
            pltpu.VMEM((B // 128, 128), jnp.float32),
            pltpu.VMEM((2, E), jnp.float32),
        ],
    )(flat, Wr)


def _permute_body(x_hbm, pos_hbm, xperm_hbm, pos_v, rows_v, sem):
    wid = lax.axis_index("s") * 2 + lax.axis_index("c")
    base = wid * TOK_PER_W
    pltpu.sync_copy(pos_hbm.at[pl.ds(base, TOK_PER_W)], pos_v)
    pltpu.sync_copy(x_hbm.at[pl.ds(base, TOK_PER_W)], rows_v)
    pltpu.async_copy(rows_v, xperm_hbm.at[pos_v], sem).wait()


def _run_permute(flat, pos):
    mesh = plsc.VectorSubcoreMesh(core_axis_name="c", subcore_axis_name="s")
    f = functools.partial(
        pl.kernel,
        out_type=jax.ShapeDtypeStruct((P, DIM), jnp.float32),
        mesh=mesh,
        scratch_types=[
            pltpu.VMEM((TOK_PER_W,), jnp.int32),
            pltpu.VMEM((TOK_PER_W, DIM), jnp.float32),
            pltpu.SemaphoreType.DMA,
        ],
        compiler_params=pltpu.CompilerParams(needs_layout_passes=False),
    )(_permute_body)
    return f(flat, pos)


def _experts_body(te_ref, xr_ref, sfc_ref, spj_ref, out_ref):
    i = pl.program_id(0)

    @pl.when(te_ref[0, i] < 8)
    def _():
        e = te_ref[0, i]
        xr = xr_ref[...].reshape(ROWS_PER_TILE, CHUNK)
        h = jax.lax.dot_general(
            xr, sfc_ref[e, 0], (((1,), (1,)), ((), ())),
            preferred_element_type=jnp.float32)
        h = jnp.where(h >= 0, h, 0.5 * h)
        g = h * h
        o = jax.lax.dot_general(
            g, spj_ref[e, 0], (((1,), (1,)), ((), ())),
            preferred_element_type=jnp.float32)
        out_ref[...] = o.reshape(TT, DIM)


def _run_experts(xperm_rows, S_fc, S_proj, te):
    grid_spec = pltpu.PrefetchScalarGridSpec(
        num_scalar_prefetch=1,
        grid=(NEXP_TILES,),
        in_specs=[
            pl.BlockSpec((TT, DIM), lambda i, te: (i, 0)),
            pl.BlockSpec((E, 1) + S_fc.shape[2:],
                         lambda i, te: (0, 0, 0, 0)),
            pl.BlockSpec((E, 1) + S_proj.shape[2:],
                         lambda i, te: (0, 0, 0, 0)),
        ],
        out_specs=pl.BlockSpec((TT, DIM), lambda i, te: (i, 0)),
    )
    return pl.pallas_call(
        _experts_body,
        grid_spec=grid_spec,
        out_shape=jax.ShapeDtypeStruct((P, DIM), jnp.float32),
        compiler_params=pltpu.CompilerParams(
            vmem_limit_bytes=100 * 1024 * 1024),
    )(te, xperm_rows, S_fc, S_proj)


def _unpermute_body(operm_hbm, pos_hbm, out_hbm, pos_v, rows_v, sem):
    wid = lax.axis_index("s") * 2 + lax.axis_index("c")
    base = wid * TOK_PER_W
    pltpu.sync_copy(pos_hbm.at[pl.ds(base, TOK_PER_W)], pos_v)
    pltpu.async_copy(operm_hbm.at[pos_v], rows_v, sem).wait()
    pltpu.sync_copy(rows_v, out_hbm.at[pl.ds(base, TOK_PER_W)])


def _run_unpermute(operm, pos):
    mesh = plsc.VectorSubcoreMesh(core_axis_name="c", subcore_axis_name="s")
    f = functools.partial(
        pl.kernel,
        out_type=jax.ShapeDtypeStruct((B, DIM), jnp.float32),
        mesh=mesh,
        scratch_types=[
            pltpu.VMEM((TOK_PER_W,), jnp.int32),
            pltpu.VMEM((TOK_PER_W, DIM), jnp.float32),
            pltpu.SemaphoreType.DMA,
        ],
        compiler_params=pltpu.CompilerParams(needs_layout_passes=False),
    )(_unpermute_body)
    return f(operm, pos)


def kernel(x, Wr, A_fc, S_fc, A_proj, S_proj):
    flat = x.reshape(B, DIM)

    pos2d, te2d, aux = _run_router(flat, Wr)
    pos = pos2d.reshape(B)

    xperm = _run_permute(flat, pos)
    operm = _run_experts(xperm, S_fc, S_proj, te2d)
    out = _run_unpermute(operm, pos)

    return out.reshape(x.shape), aux.reshape(())

# --- scband reference (transcript-rebuilt; emitter-appended) ---
"""Pipeline reference for scband-mo-emlp-14577119003273 (READ-ONLY COPY).

The authoritative reference and input builder live on the scoring server;
editing this copy changes nothing except your own understanding.
"""

import jax, jax.numpy as jnp
import numpy as np

DIM = 1024
MLP_MULT = 4
HIDDEN = DIM * MLP_MULT
E = 8
N = 4


def _phm(x, A, S):
    # Parameterized Hypercomplex Multiplication: W = sum_i A_i (x) S_i
    n = A.shape[0]
    s_in = S.shape[-1]
    out_features = n * S.shape[-2]
    bsz = x.shape[:-1]
    X = x.reshape(-1, n, s_in)
    T = jnp.einsum('bkl,iol->bkio', X, S)
    y = jnp.einsum('ijk,bkio->bjo', A, T)
    return y.reshape(*bsz, out_features)


def setup_inputs(seed: int = 0):
    key = jax.random.key(seed)
    ks = jax.random.split(key, 4)
    x = jax.random.normal(ks[0], (1, 2048, DIM), dtype=jnp.float32)
    # router: nn.Linear(dim, num_experts, bias=False) -> weight [E, DIM]
    Wr = jax.random.normal(ks[1], (E, DIM), dtype=jnp.float32) * (1.0 / np.sqrt(DIM))
    # PHM A init: A[0] = eye(n), rest zeros (per _init_weights)
    eyeA = jnp.zeros((N, N, N), dtype=jnp.float32).at[0].set(jnp.eye(N, dtype=jnp.float32))
    A_fc = jnp.tile(eyeA[None], (E, 1, 1, 1))
    A_proj = jnp.tile(eyeA[None], (E, 1, 1, 1))
    s_in_fc = DIM // N
    s_out_fc = HIDDEN // N
    # kaiming_normal(linear) std = 1/sqrt(fan_in), then scaled by 1/sqrt(n)
    S_fc = jax.random.normal(ks[2], (E, N, s_out_fc, s_in_fc), dtype=jnp.float32) * (1.0 / np.sqrt(s_in_fc)) * (1.0 / np.sqrt(N))
    s_in_pj = HIDDEN // N
    s_out_pj = DIM // N
    S_proj = jax.random.normal(ks[3], (E, N, s_out_pj, s_in_pj), dtype=jnp.float32) * (1.0 / np.sqrt(s_in_pj)) * (1.0 / np.sqrt(N))
    return {"x": x, "Wr": Wr, "A_fc": A_fc, "S_fc": S_fc, "A_proj": A_proj, "S_proj": S_proj}


def reference(x, Wr, A_fc, S_fc, A_proj, S_proj):
    dim = x.shape[-1]
    flat_x = x.reshape(-1, dim)
    router_logits = flat_x @ Wr.T
    router_probs = jax.nn.softmax(router_logits, axis=-1)
    expert_idx = jnp.argmax(router_logits, axis=-1)
    tokens_per_expert = jnp.zeros((E,), dtype=jnp.float32).at[expert_idx].add(1.0)
    frac = tokens_per_expert / flat_x.shape[0]
    avg_prob = router_probs.mean(axis=0)
    aux_loss = (frac * avg_prob).sum() * E
    output = jnp.zeros_like(flat_x)
    for e in range(E):
        mask = (expert_idx == e)[:, None].astype(flat_x.dtype)
        h = _phm(flat_x, A_fc[e], S_fc[e])
        h = jnp.where(h >= 0, h, 0.5 * h)  # leaky_relu, negative_slope=0.5
        output = output + mask * _phm(h * h, A_proj[e], S_proj[e])
    return output.reshape(x.shape), aux_loss

if __name__ == "__main__":
    import jax
    _d = setup_inputs()
    print(jax.jit(kernel)(*tuple(_d.values())))

</pallas_src>

<mosaic_0001>
#map = affine_map<(d0, d1) -> (0, 0)>
#map1 = affine_map<(d0, d1) -> (0)>
module attributes {stable_mosaic.version = 14 : i64} {
  func.func @_unpermute_body(%arg0: i32, %arg1: i32, %arg2: memref<3072x1024xf32, #tpu.memory_space<hbm>>, %arg3: memref<2048xi32, #tpu.memory_space<hbm>>, %arg4: memref<2048x1024xf32, #tpu.memory_space<hbm>>, %arg5: memref<64xi32, #tpu.memory_space<vmem>>, %arg6: memref<64x1024xf32, #tpu.memory_space<vmem>>, %arg7: memref<!tpu.dma_semaphore, #tpu.memory_space<semaphore_mem>>) attributes {dimension_semantics = [#tpu.dimension_semantics<core_parallel>, #tpu.dimension_semantics<subcore_parallel>], iteration_bounds = array<i64: 2, 16>, scalar_prefetch = 0 : i64, scratch_operands = 3 : i64, tpu.core_type = #tpu.core_type<sc_vector_subcore>, window_params = [{transform_indices = #map}, {transform_indices = #map1}, {transform_indices = #map}]} {
    %mul3A = arith.constant 2 : i32
    %mul3A_0 = arith.muli %arg1, %mul3A : i32
    %add3A = arith.addi %mul3A_0, %arg0 : i32
    %mul3A_1 = arith.constant 64 : i32
    %mul3A_2 = arith.muli %add3A, %mul3A_1 : i32
    "tpu.region"() ({
      %run_scoped3A = tpu.sem_alloc : memref<!tpu.dma_semaphore, #tpu.memory_space<semaphore_mem>>
      %dma_start3A_7 = tpu.memref_slice %arg3[%mul3A_2] : memref<2048xi32, #tpu.memory_space<hbm>> -> memref<64xi32, #tpu.memory_space<hbm>>
      %dma_start3A_8 = tpu.memref_slice %arg3[%mul3A_2] : memref<2048xi32, #tpu.memory_space<hbm>> -> memref<64xi32, #tpu.memory_space<hbm>>
      tpu.enqueue_dma source(%dma_start3A_8 : memref<64xi32, #tpu.memory_space<hbm>>) target(%arg5 : memref<64xi32, #tpu.memory_space<vmem>>) target_semaphore(%run_scoped3A : memref<!tpu.dma_semaphore, #tpu.memory_space<semaphore_mem>>)
      %dma_wait3A_9 = tpu.memref_slice %arg3[%mul3A_2] : memref<2048xi32, #tpu.memory_space<hbm>> -> memref<64xi32, #tpu.memory_space<hbm>>
      %dma_wait3A_10 = tpu.memref_slice %arg3[%mul3A_2] : memref<2048xi32, #tpu.memory_space<hbm>> -> memref<64xi32, #tpu.memory_space<hbm>>
      tpu.wait_dma2 semaphore(%run_scoped3A : memref<!tpu.dma_semaphore, #tpu.memory_space<semaphore_mem>>) src(%dma_wait3A_10 : memref<64xi32, #tpu.memory_space<hbm>>) dst(%arg5 : memref<64xi32, #tpu.memory_space<vmem>>)
      tpu.yield
    }) : () -> ()
    %dma_start3A = arith.constant 0 : i32
    %dma_start3A_3 = arith.constant 0 : i32
    %dma_start3A_4 = tpu.memref_slice %arg2[%dma_start3A, %dma_start3A_3] : memref<3072x1024xf32, #tpu.memory_space<hbm>> -> memref<3072x1024xf32, #tpu.memory_space<hbm>>
    tpu.enqueue_indirect_dma source(%dma_start3A_4 : memref<3072x1024xf32, #tpu.memory_space<hbm>>) target(%arg6 : memref<64x1024xf32, #tpu.memory_space<vmem>>) offsets(%arg5 : memref<64xi32, #tpu.memory_space<vmem>>) semaphore(%arg7 : memref<!tpu.dma_semaphore, #tpu.memory_space<semaphore_mem>>)
    %dma_wait3A = arith.constant 0 : i32
    %dma_wait3A_5 = arith.constant 0 : i32
    %dma_wait3A_6 = tpu.memref_slice %arg2[%dma_wait3A, %dma_wait3A_5] : memref<3072x1024xf32, #tpu.memory_space<hbm>> -> memref<3072x1024xf32, #tpu.memory_space<hbm>>
    tpu.wait_indirect_dma semaphore(%arg7 : memref<!tpu.dma_semaphore, #tpu.memory_space<semaphore_mem>>) src(%dma_wait3A_6 : memref<3072x1024xf32, #tpu.memory_space<hbm>>) dst(%arg6 : memref<64x1024xf32, #tpu.memory_space<vmem>>)
    "tpu.region"() ({
      %run_scoped3A = tpu.sem_alloc : memref<!tpu.dma_semaphore, #tpu.memory_space<semaphore_mem>>
      %dma_start3A_7 = arith.constant 0 : i32
      %dma_start3A_8 = tpu.memref_slice %arg4[%mul3A_2, %dma_start3A_7] : memref<2048x1024xf32, #tpu.memory_space<hbm>> -> memref<64x1024xf32, #tpu.memory_space<hbm>>
      %dma_start3A_9 = arith.constant 0 : i32
      %dma_start3A_10 = tpu.memref_slice %arg4[%mul3A_2, %dma_start3A_9] : memref<2048x1024xf32, #tpu.memory_space<hbm>> -> memref<64x1024xf32, #tpu.memory_space<hbm>>
      tpu.enqueue_dma source(%arg6 : memref<64x1024xf32, #tpu.memory_space<vmem>>) target(%dma_start3A_10 : memref<64x1024xf32, #tpu.memory_space<hbm>>) target_semaphore(%run_scoped3A : memref<!tpu.dma_semaphore, #tpu.memory_space<semaphore_mem>>)
      %dma_wait3A_11 = arith.constant 0 : i32
      %dma_wait3A_12 = tpu.memref_slice %arg4[%mul3A_2, %dma_wait3A_11] : memref<2048x1024xf32, #tpu.memory_space<hbm>> -> memref<64x1024xf32, #tpu.memory_space<hbm>>
      %dma_wait3A_13 = arith.constant 0 : i32
      %dma_wait3A_14 = tpu.memref_slice %arg4[%mul3A_2, %dma_wait3A_13] : memref<2048x1024xf32, #tpu.memory_space<hbm>> -> memref<64x1024xf32, #tpu.memory_space<hbm>>
      tpu.wait_dma2 semaphore(%run_scoped3A : memref<!tpu.dma_semaphore, #tpu.memory_space<semaphore_mem>>) src(%arg6 : memref<64x1024xf32, #tpu.memory_space<vmem>>) dst(%dma_wait3A_14 : memref<64x1024xf32, #tpu.memory_space<hbm>>)
      tpu.yield
    }) : () -> ()
    return
  }
}

#map = affine_map<(d0, d1) -> (0, 0)>
#map1 = affine_map<(d0, d1) -> (0)>
module attributes {stable_mosaic.version = 14 : i64} {
  func.func @_permute_body(%arg0: i32, %arg1: i32, %arg2: memref<2048x1024xf32, #tpu.memory_space<hbm>>, %arg3: memref<2048xi32, #tpu.memory_space<hbm>>, %arg4: memref<3072x1024xf32, #tpu.memory_space<hbm>>, %arg5: memref<64xi32, #tpu.memory_space<vmem>>, %arg6: memref<64x1024xf32, #tpu.memory_space<vmem>>, %arg7: memref<!tpu.dma_semaphore, #tpu.memory_space<semaphore_mem>>) attributes {dimension_semantics = [#tpu.dimension_semantics<core_parallel>, #tpu.dimension_semantics<subcore_parallel>], iteration_bounds = array<i64: 2, 16>, scalar_prefetch = 0 : i64, scratch_operands = 3 : i64, tpu.core_type = #tpu.core_type<sc_vector_subcore>, window_params = [{transform_indices = #map}, {transform_indices = #map1}, {transform_indices = #map}]} {
    %mul3A = arith.constant 2 : i32
    %mul3A_0 = arith.muli %arg1, %mul3A : i32
    %add3A = arith.addi %mul3A_0, %arg0 : i32
    %mul3A_1 = arith.constant 64 : i32
    %mul3A_2 = arith.muli %add3A, %mul3A_1 : i32
    "tpu.region"() ({
      %run_scoped3A = tpu.sem_alloc : memref<!tpu.dma_semaphore, #tpu.memory_space<semaphore_mem>>
      %dma_start3A_7 = tpu.memref_slice %arg3[%mul3A_2] : memref<2048xi32, #tpu.memory_space<hbm>> -> memref<64xi32, #tpu.memory_space<hbm>>
      %dma_start3A_8 = tpu.memref_slice %arg3[%mul3A_2] : memref<2048xi32, #tpu.memory_space<hbm>> -> memref<64xi32, #tpu.memory_space<hbm>>
      tpu.enqueue_dma source(%dma_start3A_8 : memref<64xi32, #tpu.memory_space<hbm>>) target(%arg5 : memref<64xi32, #tpu.memory_space<vmem>>) target_semaphore(%run_scoped3A : memref<!tpu.dma_semaphore, #tpu.memory_space<semaphore_mem>>)
      %dma_wait3A_9 = tpu.memref_slice %arg3[%mul3A_2] : memref<2048xi32, #tpu.memory_space<hbm>> -> memref<64xi32, #tpu.memory_space<hbm>>
      %dma_wait3A_10 = tpu.memref_slice %arg3[%mul3A_2] : memref<2048xi32, #tpu.memory_space<hbm>> -> memref<64xi32, #tpu.memory_space<hbm>>
      tpu.wait_dma2 semaphore(%run_scoped3A : memref<!tpu.dma_semaphore, #tpu.memory_space<semaphore_mem>>) src(%dma_wait3A_10 : memref<64xi32, #tpu.memory_space<hbm>>) dst(%arg5 : memref<64xi32, #tpu.memory_space<vmem>>)
      tpu.yield
    }) : () -> ()
    "tpu.region"() ({
      %run_scoped3A = tpu.sem_alloc : memref<!tpu.dma_semaphore, #tpu.memory_space<semaphore_mem>>
      %dma_start3A_7 = arith.constant 0 : i32
      %dma_start3A_8 = tpu.memref_slice %arg2[%mul3A_2, %dma_start3A_7] : memref<2048x1024xf32, #tpu.memory_space<hbm>> -> memref<64x1024xf32, #tpu.memory_space<hbm>>
      %dma_start3A_9 = arith.constant 0 : i32
      %dma_start3A_10 = tpu.memref_slice %arg2[%mul3A_2, %dma_start3A_9] : memref<2048x1024xf32, #tpu.memory_space<hbm>> -> memref<64x1024xf32, #tpu.memory_space<hbm>>
      tpu.enqueue_dma source(%dma_start3A_10 : memref<64x1024xf32, #tpu.memory_space<hbm>>) target(%arg6 : memref<64x1024xf32, #tpu.memory_space<vmem>>) target_semaphore(%run_scoped3A : memref<!tpu.dma_semaphore, #tpu.memory_space<semaphore_mem>>)
      %dma_wait3A_11 = arith.constant 0 : i32
      %dma_wait3A_12 = tpu.memref_slice %arg2[%mul3A_2, %dma_wait3A_11] : memref<2048x1024xf32, #tpu.memory_space<hbm>> -> memref<64x1024xf32, #tpu.memory_space<hbm>>
      %dma_wait3A_13 = arith.constant 0 : i32
      %dma_wait3A_14 = tpu.memref_slice %arg2[%mul3A_2, %dma_wait3A_13] : memref<2048x1024xf32, #tpu.memory_space<hbm>> -> memref<64x1024xf32, #tpu.memory_space<hbm>>
      tpu.wait_dma2 semaphore(%run_scoped3A : memref<!tpu.dma_semaphore, #tpu.memory_space<semaphore_mem>>) src(%dma_wait3A_14 : memref<64x1024xf32, #tpu.memory_space<hbm>>) dst(%arg6 : memref<64x1024xf32, #tpu.memory_space<vmem>>)
      tpu.yield
    }) : () -> ()
    %dma_start3A = arith.constant 0 : i32
    %dma_start3A_3 = arith.constant 0 : i32
    %dma_start3A_4 = tpu.memref_slice %arg4[%dma_start3A, %dma_start3A_3] : memref<3072x1024xf32, #tpu.memory_space<hbm>> -> memref<3072x1024xf32, #tpu.memory_space<hbm>>
    tpu.enqueue_indirect_dma source(%arg6 : memref<64x1024xf32, #tpu.memory_space<vmem>>) target(%dma_start3A_4 : memref<3072x1024xf32, #tpu.memory_space<hbm>>) offsets(%arg5 : memref<64xi32, #tpu.memory_space<vmem>>) semaphore(%arg7 : memref<!tpu.dma_semaphore, #tpu.memory_space<semaphore_mem>>)
    %dma_wait3A = arith.constant 0 : i32
    %dma_wait3A_5 = arith.constant 0 : i32
    %dma_wait3A_6 = tpu.memref_slice %arg4[%dma_wait3A, %dma_wait3A_5] : memref<3072x1024xf32, #tpu.memory_space<hbm>> -> memref<3072x1024xf32, #tpu.memory_space<hbm>>
    tpu.wait_indirect_dma semaphore(%arg7 : memref<!tpu.dma_semaphore, #tpu.memory_space<semaphore_mem>>) src(%arg6 : memref<64x1024xf32, #tpu.memory_space<vmem>>) dst(%dma_wait3A_6 : memref<3072x1024xf32, #tpu.memory_space<hbm>>)
    return
  }
}

module attributes {stable_mosaic.version = 14 : i64} {
  func.func @_experts_body(%arg0: i32, %arg1: memref<8x128xi32, #tpu.memory_space<smem>>, %arg2: memref<128x1024xf32, #tpu.memory_space<vmem>>, %arg3: memref<8x1x1024x256xf32, #tpu.memory_space<vmem>>, %arg4: memref<8x1x256x1024xf32, #tpu.memory_space<vmem>>, %arg5: memref<128x1024xf32, #tpu.memory_space<vmem>>) attributes {dimension_semantics = [#tpu.dimension_semantics<arbitrary>], iteration_bounds = array<i64: 24>, scalar_prefetch = 1 : i64, scratch_operands = 0 : i64, tpu.core_type = #tpu.core_type<tc>, window_params = [{transform_indices = @transform_0, window_bounds = array<i64: 128, 1024>}, {transform_indices = @transform_1, window_bounds = array<i64: 8, 1, 1024, 256>}, {transform_indices = @transform_2, window_bounds = array<i64: 8, 1, 256, 1024>}, {transform_indices = @transform_3, window_bounds = array<i64: 128, 1024>}]} {
    %get3A = arith.constant 0 : index
    %get3A_0 = arith.index_cast %arg0 : i32 to index
    %get3A_1 = memref.load %arg1[%get3A, %get3A_0] : memref<8x128xi32, #tpu.memory_space<smem>>
    %lt3A = arith.constant 8 : i32
    %lt3A_2 = arith.cmpi slt, %get3A_1, %lt3A : i32
    %convert_element_type3A = arith.extui %lt3A_2 : i1 to i32
    %cond3A = arith.constant 0 : i32
    %cond3A_3 = arith.cmpi ne, %convert_element_type3A, %cond3A : i32
    scf.if %cond3A_3 {
      %get3A_4 = arith.constant 0 : index
      %get3A_5 = arith.index_cast %arg0 : i32 to index
      %get3A_6 = memref.load %arg1[%get3A_4, %get3A_5] : memref<8x128xi32, #tpu.memory_space<smem>>
      %get3A_7 = arith.constant 0 : index
      %get3A_8 = arith.constant 0 : index
      %get3A_9 = vector.load %arg2[%get3A_7, %get3A_8] : memref<128x1024xf32, #tpu.memory_space<vmem>>, vector<128x1024xf32>
      %reshape3A = vector.shape_cast %get3A_9 : vector<128x1024xf32> to vector<512x256xf32>
      %get3A_10 = arith.index_cast %get3A_6 : i32 to index
      %get3A_11 = arith.constant 0 : index
      %get3A_12 = arith.constant 0 : index
      %get3A_13 = arith.constant 0 : index
      %get3A_14 = vector.load %arg3[%get3A_10, %get3A_11, %get3A_12, %get3A_13] : memref<8x1x1024x256xf32, #tpu.memory_space<vmem>>, vector<1x1x1024x256xf32>
      %get3A_15 = vector.shape_cast %get3A_14 : vector<1x1x1024x256xf32> to vector<1024x256xf32>
      %dot_general3A = arith.constant dense<0.000000e+00> : vector<512x1024xf32>
      %dot_general3A_16 = tpu.matmul %reshape3A, %get3A_15, %dot_general3A {dimension_numbers = #tpu.dot_dimension_numbers<[1], [1], [0], [0], [0, 0, 1, 0], [], []>, transpose_lhs_hint = false} : vector<512x256xf32>, vector<1024x256xf32>, vector<512x1024xf32> -> vector<512x1024xf32>
      %ge3A = arith.constant 0.000000e+00 : f32
      %ge3A_17 = vector.broadcast %ge3A : f32 to vector<512x1024xf32>
      %ge3A_18 = arith.cmpf oge, %dot_general3A_16, %ge3A_17 : vector<512x1024xf32>
      %mul3A = arith.constant 5.000000e-01 : f32
      %mul3A_19 = vector.broadcast %mul3A : f32 to vector<512x1024xf32>
      %mul3A_20 = arith.mulf %mul3A_19, %dot_general3A_16 : vector<512x1024xf32>
      %select_n3A = arith.select %ge3A_18, %dot_general3A_16, %mul3A_20 : vector<512x1024xi1>, vector<512x1024xf32>
      %mul3A_21 = arith.mulf %select_n3A, %select_n3A : vector<512x1024xf32>
      %get3A_22 = arith.index_cast %get3A_6 : i32 to index
      %get3A_23 = arith.constant 0 : index
      %get3A_24 = arith.constant 0 : index
      %get3A_25 = arith.constant 0 : index
      %get3A_26 = vector.load %arg4[%get3A_22, %get3A_23, %get3A_24, %get3A_25] : memref<8x1x256x1024xf32, #tpu.memory_space<vmem>>, vector<1x1x256x1024xf32>
      %get3A_27 = vector.shape_cast %get3A_26 : vector<1x1x256x1024xf32> to vector<256x1024xf32>
      %dot_general3A_28 = arith.constant dense<0.000000e+00> : vector<512x256xf32>
      %dot_general3A_29 = tpu.matmul %mul3A_21, %get3A_27, %dot_general3A_28 {dimension_numbers = #tpu.dot_dimension_numbers<[1], [1], [0], [0], [0, 0, 1, 0], [], []>, transpose_lhs_hint = false} : vector<512x1024xf32>, vector<256x1024xf32>, vector<512x256xf32> -> vector<512x256xf32>
      %reshape3A_30 = vector.shape_cast %dot_general3A_29 : vector<512x256xf32> to vector<128x1024xf32>
      %swap3A = arith.constant 0 : index
      %swap3A_31 = arith.constant 0 : index
      %swap3A_32 = vector.load %arg5[%swap3A, %swap3A_31] : memref<128x1024xf32, #tpu.memory_space<vmem>>, vector<128x1024xf32>
      tpu.vector_store %arg5[%swap3A, %swap3A_31], %reshape3A_30 {strides = array<i32>} : memref<128x1024xf32, #tpu.memory_space<vmem>>, vector<128x1024xf32>,
    } else {
    }
    return
  }
  func.func @transform_0(%arg0: i32, %arg1: memref<8x128xi32, #tpu.memory_space<smem>>) -> (i32, i32) {
    %c0_i32 = arith.constant 0 : i32
    %c0_i32_0 = arith.constant 0 : i32
    return %arg0, %c0_i32 : i32, i32
  }
  func.func @transform_1(%arg0: i32, %arg1: memref<8x128xi32, #tpu.memory_space<smem>>) -> (i32, i32, i32, i32) {
    %c0_i32 = arith.constant 0 : i32
    %c0_i32_0 = arith.constant 0 : i32
    %c0_i32_1 = arith.constant 0 : i32
    %c0_i32_2 = arith.constant 0 : i32
    %c0_i32_3 = arith.constant 0 : i32
    return %c0_i32, %c0_i32_0, %c0_i32_1, %c0_i32_2 : i32, i32, i32, i32
  }
  func.func @transform_2(%arg0: i32, %arg1: memref<8x128xi32, #tpu.memory_space<smem>>) -> (i32, i32, i32, i32) {
    %c0_i32 = arith.constant 0 : i32
    %c0_i32_0 = arith.constant 0 : i32
    %c0_i32_1 = arith.constant 0 : i32
    %c0_i32_2 = arith.constant 0 : i32
    %c0_i32_3 = arith.constant 0 : i32
    return %c0_i32, %c0_i32_0, %c0_i32_1, %c0_i32_2 : i32, i32, i32, i32
  }
  func.func @transform_3(%arg0: i32, %arg1: memref<8x128xi32, #tpu.memory_space<smem>>) -> (i32, i32) {
    %c0_i32 = arith.constant 0 : i32
    %c0_i32_0 = arith.constant 0 : i32
    return %arg0, %c0_i32 : i32, i32
  }
}

module attributes {stable_mosaic.version = 14 : i64} {
  func.func @_router_body(%arg0: i32, %arg1: memref<512x1024xf32, #tpu.memory_space<vmem>>, %arg2: memref<8x1024xf32, #tpu.memory_space<vmem>>, %arg3: memref<16x128xi32, #tpu.memory_space<vmem>>, %arg4: memref<8x128xi32, #tpu.memory_space<vmem>>, %arg5: memref<1x1xf32, #tpu.memory_space<smem>>, %arg6: memref<16x128xf32, #tpu.memory_space<vmem>>, %arg7: memref<16x128xf32, #tpu.memory_space<vmem>>, %arg8: memref<2x8xf32, #tpu.memory_space<vmem>>) attributes {dimension_semantics = [#tpu.dimension_semantics<arbitrary>], iteration_bounds = array<i64: 5>, scalar_prefetch = 0 : i64, scratch_operands = 3 : i64, tpu.core_type = #tpu.core_type<tc>, window_params = [{transform_indices = @transform_0, window_bounds = array<i64: 512, 1024>}, {pipeline_mode = #tpu.pipeline_mode<synchronous>, transform_indices = @transform_1, window_bounds = array<i64: 8, 1024>}, {pipeline_mode = #tpu.pipeline_mode<synchronous>, transform_indices = @transform_2, window_bounds = array<i64: 16, 128>}, {pipeline_mode = #tpu.pipeline_mode<synchronous>, transform_indices = @transform_3, window_bounds = array<i64: 8, 128>}, {transform_indices = @transform_4, window_bounds = array<i64: 1, 1>}]} {
    %eq3A = arith.constant 0 : i32
    %eq3A_0 = arith.cmpi eq, %arg0, %eq3A : i32
    %convert_element_type3A = arith.extui %eq3A_0 : i1 to i32
    %cond3A = arith.constant 0 : i32
    %cond3A_1 = arith.cmpi ne, %convert_element_type3A, %cond3A : i32
    scf.if %cond3A_1 {
      %broadcast_in_dim3A = arith.constant 0.000000e+00 : f32
      %broadcast_in_dim3A_11 = vector.broadcast %broadcast_in_dim3A : f32 to vector<2x8xf32>
      %swap3A = arith.constant 0 : index
      %swap3A_12 = arith.constant 0 : index
      %swap3A_13 = vector.load %arg8[%swap3A, %swap3A_12] : memref<2x8xf32, #tpu.memory_space<vmem>>, vector<2x8xf32>
      tpu.vector_store %arg8[%swap3A, %swap3A_12], %broadcast_in_dim3A_11 {strides = array<i32>} : memref<2x8xf32, #tpu.memory_space<vmem>>, vector<2x8xf32>,
    } else {
    }
    %lt3A = arith.constant 4 : i32
    %lt3A_2 = arith.cmpi slt, %arg0, %lt3A : i32
    %convert_element_type3A_3 = arith.extui %lt3A_2 : i1 to i32
    %cond3A_4 = arith.constant 0 : i32
    %cond3A_5 = arith.cmpi ne, %convert_element_type3A_3, %cond3A_4 : i32
    scf.if %cond3A_5 {
      %get3A = arith.constant 0 : index
      %get3A_11 = arith.constant 0 : index
      %get3A_12 = vector.load %arg1[%get3A, %get3A_11] : memref<512x1024xf32, #tpu.memory_space<vmem>>, vector<512x1024xf32>
      %get3A_13 = arith.constant 0 : index
      %get3A_14 = arith.constant 0 : index
      %get3A_15 = vector.load %arg2[%get3A_13, %get3A_14] : memref<8x1024xf32, #tpu.memory_space<vmem>>, vector<8x1024xf32>
      %dot_general3A = arith.constant dense<0.000000e+00> : vector<512x8xf32>
      %dot_general3A_16 = tpu.matmul %get3A_12, %get3A_15, %dot_general3A {dimension_numbers = #tpu.dot_dimension_numbers<[1], [1], [0], [0], [0, 0, 1, 0], [], []>, transpose_lhs_hint = false} : vector<512x1024xf32>, vector<8x1024xf32>, vector<512x8xf32> -> vector<512x8xf32>
      %reduce_max3A = arith.constant dense<0xFF800000> : vector<512xf32>
      %reduce_max3A_17 = vector.multi_reduction <maximumf>, %dot_general3A_16, %reduce_max3A [1] : vector<512x8xf32> to vector<512xf32>
      %max3A = arith.constant 0xFF800000 : f32
      %max3A_18 = vector.broadcast %max3A : f32 to vector<512xf32>
      %max3A_19 = arith.maximumf %max3A_18, %reduce_max3A_17 : vector<512xf32>
      %broadcast_in_dim3A = vector.shape_cast %max3A_19 : vector<512xf32> to vector<512x1xf32>
      %sub3A = vector.broadcast %broadcast_in_dim3A : vector<512x1xf32> to vector<512x8xf32>
      %sub3A_20 = arith.subf %dot_general3A_16, %sub3A : vector<512x8xf32>
      %exp3A = math.exp %sub3A_20 : vector<512x8xf32>
      %reduce_sum3A = arith.constant dense<0.000000e+00> : vector<512xf32>
      %reduce_sum3A_21 = vector.multi_reduction <add>, %exp3A, %reduce_sum3A [1] : vector<512x8xf32> to vector<512xf32>
      %broadcast_in_dim3A_22 = vector.shape_cast %reduce_sum3A_21 : vector<512xf32> to vector<512x1xf32>
      %div3A = vector.broadcast %broadcast_in_dim3A_22 : vector<512x1xf32> to vector<512x8xf32>
      %div3A_23 = arith.divf %exp3A, %div3A : vector<512x8xf32>
      %argmax3A = tpu.reduce_index %dot_general3A_16 {axis = 1 : i32, kind = #tpu.reduction_kind<arg_max>} : vector<512x8xf32> -> vector<512xi32>
      %convert_element_type3A_24 = arith.sitofp %argmax3A : vector<512xi32> to vector<512xf32>
      %reshape3A = vector.shape_cast %convert_element_type3A_24 : vector<512xf32> to vector<512x1xf32>
      %iota3A = tpu.iota {dimensions = array<i32: 1>} : vector<512x8xi32>
      %convert_element_type3A_25 = arith.sitofp %iota3A : vector<512x8xi32> to vector<512x8xf32>
      %eq3A_26 = vector.broadcast %reshape3A : vector<512x1xf32> to vector<512x8xf32>
      %eq3A_27 = arith.cmpf oeq, %eq3A_26, %convert_element_type3A_25 : vector<512x8xf32>
      %convert_element_type3A_28 = arith.extui %eq3A_27 : vector<512x8xi1> to vector<512x8xi32>
      %convert_element_type3A_29 = arith.sitofp %convert_element_type3A_28 : vector<512x8xi32> to vector<512x8xf32>
      %reduce_sum3A_30 = arith.constant dense<0.000000e+00> : vector<8xf32>
      %reduce_sum3A_31 = vector.multi_reduction <add>, %convert_element_type3A_29, %reduce_sum3A_30 [0] : vector<512x8xf32> to vector<8xf32>
      %broadcast_in_dim3A_32 = vector.shape_cast %reduce_sum3A_31 : vector<8xf32> to vector<1x8xf32>
      %reduce_sum3A_33 = arith.constant dense<0.000000e+00> : vector<8xf32>
      %reduce_sum3A_34 = vector.multi_reduction <add>, %div3A_23, %reduce_sum3A_33 [0] : vector<512x8xf32> to vector<8xf32>
      %broadcast_in_dim3A_35 = vector.shape_cast %reduce_sum3A_34 : vector<8xf32> to vector<1x8xf32>
      %iota3A_36 = tpu.iota {dimensions = array<i32: 0>} : vector<512x512xi32>
      %iota3A_37 = tpu.iota {dimensions = array<i32: 1>} : vector<512x512xi32>
      %gt3A = arith.cmpi sgt, %iota3A_36, %iota3A_37 : vector<512x512xi32>
      %convert_element_type3A_38 = arith.extui %gt3A : vector<512x512xi1> to vector<512x512xi32>
      %convert_element_type3A_39 = arith.sitofp %convert_element_type3A_38 : vector<512x512xi32> to vector<512x512xf32>
      %dot_general3A_40 = arith.constant dense<0.000000e+00> : vector<512x8xf32>
      %dot_general3A_41 = tpu.matmul %convert_element_type3A_39, %convert_element_type3A_29, %dot_general3A_40 {dimension_numbers = #tpu.dot_dimension_numbers<[1], [0], [0], [1], [0, 0, 1, 1], [], []>, transpose_lhs_hint = false} : vector<512x512xf32>, vector<512x8xf32>, vector<512x8xf32> -> vector<512x8xf32>
      %get3A_42 = arith.constant 0 : index
      %get3A_43 = arith.constant 0 : index
      %get3A_44 = vector.load %arg8[%get3A_42, %get3A_43] : memref<2x8xf32, #tpu.memory_space<vmem>>, vector<1x8xf32>
      %add3A = vector.broadcast %get3A_44 : vector<1x8xf32> to vector<512x8xf32>
      %add3A_45 = arith.addf %dot_general3A_41, %add3A : vector<512x8xf32>
      %mul3A = arith.mulf %add3A_45, %convert_element_type3A_29 : vector<512x8xf32>
      %reduce_sum3A_46 = arith.constant dense<0.000000e+00> : vector<512xf32>
      %reduce_sum3A_47 = vector.multi_reduction <add>, %mul3A, %reduce_sum3A_46 [1] : vector<512x8xf32> to vector<512xf32>
      %reshape3A_48 = vector.shape_cast %convert_element_type3A_24 : vector<512xf32> to vector<4x128xf32>
      %mul3A_49 = arith.constant 4 : i32
      %mul3A_50 = arith.muli %arg0, %mul3A_49 : i32
      %swap3A = arith.index_cast %mul3A_50 : i32 to index
      %swap3A_51 = arith.constant 0 : index
      %swap3A_52 = vector.load %arg6[%swap3A, %swap3A_51] : memref<16x128xf32, #tpu.memory_space<vmem>>, vector<4x128xf32>
      tpu.vector_store %arg6[%swap3A, %swap3A_51], %reshape3A_48 {strides = array<i32>} : memref<16x128xf32, #tpu.memory_space<vmem>>, vector<4x128xf32>,
      %reshape3A_53 = vector.shape_cast %reduce_sum3A_47 : vector<512xf32> to vector<4x128xf32>
      %mul3A_54 = arith.constant 4 : i32
      %mul3A_55 = arith.muli %arg0, %mul3A_54 : i32
      %swap3A_56 = arith.index_cast %mul3A_55 : i32 to index
      %swap3A_57 = arith.constant 0 : index
      %swap3A_58 = vector.load %arg7[%swap3A_56, %swap3A_57] : memref<16x128xf32, #tpu.memory_space<vmem>>, vector<4x128xf32>
      tpu.vector_store %arg7[%swap3A_56, %swap3A_57], %reshape3A_53 {strides = array<i32>} : memref<16x128xf32, #tpu.memory_space<vmem>>, vector<4x128xf32>,
      %get3A_59 = arith.constant 0 : index
      %get3A_60 = arith.constant 0 : index
      %get3A_61 = vector.load %arg8[%get3A_59, %get3A_60] : memref<2x8xf32, #tpu.memory_space<vmem>>, vector<1x8xf32>
      %add3A_62 = arith.addf %get3A_61, %broadcast_in_dim3A_32 : vector<1x8xf32>
      %swap3A_63 = arith.constant 0 : index
      %swap3A_64 = arith.constant 0 : index
      %swap3A_65 = vector.load %arg8[%swap3A_63, %swap3A_64] : memref<2x8xf32, #tpu.memory_space<vmem>>, vector<1x8xf32>
      tpu.vector_store %arg8[%swap3A_63, %swap3A_64], %add3A_62 {strides = array<i32>} : memref<2x8xf32, #tpu.memory_space<vmem>>, vector<1x8xf32>,
      %get3A_66 = arith.constant 1 : index
      %get3A_67 = arith.constant 0 : index
      %get3A_68 = vector.load %arg8[%get3A_66, %get3A_67] : memref<2x8xf32, #tpu.memory_space<vmem>>, vector<1x8xf32>
      %add3A_69 = arith.addf %get3A_68, %broadcast_in_dim3A_35 : vector<1x8xf32>
      %swap3A_70 = arith.constant 1 : index
      %swap3A_71 = arith.constant 0 : index
      %swap3A_72 = vector.load %arg8[%swap3A_70, %swap3A_71] : memref<2x8xf32, #tpu.memory_space<vmem>>, vector<1x8xf32>
      tpu.vector_store %arg8[%swap3A_70, %swap3A_71], %add3A_69 {strides = array<i32>} : memref<2x8xf32, #tpu.memory_space<vmem>>, vector<1x8xf32>,
    } else {
    }
    %eq3A_6 = arith.constant 4 : i32
    %eq3A_7 = arith.cmpi eq, %arg0, %eq3A_6 : i32
    %convert_element_type3A_8 = arith.extui %eq3A_7 : i1 to i32
    %cond3A_9 = arith.constant 0 : i32
    %cond3A_10 = arith.cmpi ne, %convert_element_type3A_8, %cond3A_9 : i32
    scf.if %cond3A_10 {
      %get3A = arith.constant 0 : index
      %get3A_11 = arith.constant 0 : index
      %get3A_12 = vector.load %arg8[%get3A, %get3A_11] : memref<2x8xf32, #tpu.memory_space<vmem>>, vector<1x8xf32>
      %get3A_13 = arith.constant 1 : index
      %get3A_14 = arith.constant 0 : index
      %get3A_15 = vector.load %arg8[%get3A_13, %get3A_14] : memref<2x8xf32, #tpu.memory_space<vmem>>, vector<1x8xf32>
      %div3A = arith.constant 1.280000e+02 : f32
      %div3A_16 = vector.broadcast %div3A : f32 to vector<1x8xf32>
      %div3A_17 = arith.divf %get3A_12, %div3A_16 : vector<1x8xf32>
      %ceil3A = math.ceil %div3A_17 : vector<1x8xf32>
      %mul3A = arith.constant 1.280000e+02 : f32
      %mul3A_18 = vector.broadcast %mul3A : f32 to vector<1x8xf32>
      %mul3A_19 = arith.mulf %ceil3A, %mul3A_18 : vector<1x8xf32>
      %iota3A = tpu.iota {dimensions = array<i32: 0>} : vector<8x8xi32>
      %iota3A_20 = tpu.iota {dimensions = array<i32: 1>} : vector<8x8xi32>
      %lt3A_21 = arith.cmpi slt, %iota3A, %iota3A_20 : vector<8x8xi32>
      %convert_element_type3A_22 = arith.extui %lt3A_21 : vector<8x8xi1> to vector<8x8xi32>
      %convert_element_type3A_23 = arith.sitofp %convert_element_type3A_22 : vector<8x8xi32> to vector<8x8xf32>
      %dot_general3A = arith.constant dense<0.000000e+00> : vector<1x8xf32>
      %dot_general3A_24 = tpu.matmul %mul3A_19, %convert_element_type3A_23, %dot_general3A {dimension_numbers = #tpu.dot_dimension_numbers<[1], [0], [0], [1], [0, 0, 1, 1], [], []>, transpose_lhs_hint = false} : vector<1x8xf32>, vector<8x8xf32>, vector<1x8xf32> -> vector<1x8xf32>
      %add3A = arith.addf %dot_general3A_24, %mul3A_19 : vector<1x8xf32>
      %add3A_25 = arith.addf %dot_general3A_24, %get3A_12 : vector<1x8xf32>
      %iota3A_26 = tpu.iota {dimensions = array<i32: 1>} : vector<1x8xi32>
      %get3A_27 = arith.constant 0 : index
      %get3A_28 = arith.constant 0 : index
      %get3A_29 = vector.load %arg6[%get3A_27, %get3A_28] : memref<16x128xf32, #tpu.memory_space<vmem>>, vector<16x128xf32>
      %get3A_30 = arith.constant 0 : index
      %get3A_31 = arith.constant 0 : index
      %get3A_32 = vector.load %arg7[%get3A_30, %get3A_31] : memref<16x128xf32, #tpu.memory_space<vmem>>, vector<16x128xf32>
      %iota3A_33 = tpu.iota {dimensions = array<i32: 1>} : vector<1x128xi32>
      %convert_element_type3A_34 = arith.sitofp %iota3A_33 : vector<1x128xi32> to vector<1x128xf32>
      %mul3A_35 = arith.constant 1.280000e+02 : f32
      %mul3A_36 = vector.broadcast %mul3A_35 : f32 to vector<1x128xf32>
      %mul3A_37 = arith.mulf %convert_element_type3A_34, %mul3A_36 : vector<1x128xf32>
      %broadcast_in_dim3A = arith.constant 0.000000e+00 : f32
      %broadcast_in_dim3A_38 = vector.broadcast %broadcast_in_dim3A : f32 to vector<1x128xf32>
      %eq3A_39 = arith.constant 0 : i32
      %eq3A_40 = vector.broadcast %eq3A_39 : i32 to vector<1x8xi32>
      %eq3A_41 = arith.cmpi eq, %iota3A_26, %eq3A_40 : vector<1x8xi32>
      %convert_element_type3A_42 = arith.extui %eq3A_41 : vector<1x8xi1> to vector<1x8xi32>
      %convert_element_type3A_43 = arith.sitofp %convert_element_type3A_42 : vector<1x8xi32> to vector<1x8xf32>
      %mul3A_44 = arith.mulf %dot_general3A_24, %convert_element_type3A_43 : vector<1x8xf32>
      %reduce_sum3A = vector.shape_cast %mul3A_44 : vector<1x8xf32> to vector<1x1x8xf32>
      %reduce_sum3A_45 = arith.constant dense<0.000000e+00> : vector<1xf32>
      %reduce_sum3A_46 = vector.multi_reduction <add>, %reduce_sum3A, %reduce_sum3A_45 [1, 2] : vector<1x1x8xf32> to vector<1xf32>
      %reduce_sum3A_47 = vector.shape_cast %reduce_sum3A_46 : vector<1xf32> to vector<1x1x1xf32>
      %reduce_sum3A_48 = vector.extract %reduce_sum3A_47[0, 0, 0] : f32 from vector<1x1x1xf32>
      %mul3A_49 = arith.mulf %add3A, %convert_element_type3A_43 : vector<1x8xf32>
      %reduce_sum3A_50 = vector.shape_cast %mul3A_49 : vector<1x8xf32> to vector<1x1x8xf32>
      %reduce_sum3A_51 = arith.constant dense<0.000000e+00> : vector<1xf32>
      %reduce_sum3A_52 = vector.multi_reduction <add>, %reduce_sum3A_50, %reduce_sum3A_51 [1, 2] : vector<1x1x8xf32> to vector<1xf32>
      %reduce_sum3A_53 = vector.shape_cast %reduce_sum3A_52 : vector<1xf32> to vector<1x1x1xf32>
      %reduce_sum3A_54 = vector.extract %reduce_sum3A_53[0, 0, 0] : f32 from vector<1x1x1xf32>
      %eq3A_55 = arith.constant 0.000000e+00 : f32
      %eq3A_56 = vector.broadcast %eq3A_55 : f32 to vector<16x128xf32>
      %eq3A_57 = arith.cmpf oeq, %get3A_29, %eq3A_56 : vector<16x128xf32>
      %jit3A = arith.constant 0.000000e+00 : f32
      %broadcast_in_dim3A_58 = vector.broadcast %reduce_sum3A_48 : f32 to vector<16x128xf32>
      %broadcast_in_dim3A_59 = vector.broadcast %jit3A : f32 to vector<16x128xf32>
      %select_n3A = arith.select %eq3A_57, %broadcast_in_dim3A_58, %broadcast_in_dim3A_59 : vector<16x128xi1>, vector<16x128xf32>
      %add3A_60 = arith.addf %get3A_32, %select_n3A : vector<16x128xf32>
      %ge3A = vector.broadcast %reduce_sum3A_54 : f32 to vector<1x128xf32>
      %ge3A_61 = arith.cmpf oge, %mul3A_37, %ge3A : vector<1x128xf32>
      %convert_element_type3A_62 = arith.extui %ge3A_61 : vector<1x128xi1> to vector<1x128xi32>
      %convert_element_type3A_63 = arith.sitofp %convert_element_type3A_62 : vector<1x128xi32> to vector<1x128xf32>
      %add3A_64 = arith.addf %broadcast_in_dim3A_38, %convert_element_type3A_63 : vector<1x128xf32>
      %eq3A_65 = arith.constant 1 : i32
      %eq3A_66 = vector.broadcast %eq3A_65 : i32 to vector<1x8xi32>
      %eq3A_67 = arith.cmpi eq, %iota3A_26, %eq3A_66 : vector<1x8xi32>
      %convert_element_type3A_68 = arith.extui %eq3A_67 : vector<1x8xi1> to vector<1x8xi32>
      %convert_element_type3A_69 = arith.sitofp %convert_element_type3A_68 : vector<1x8xi32> to vector<1x8xf32>
      %mul3A_70 = arith.mulf %dot_general3A_24, %convert_element_type3A_69 : vector<1x8xf32>
      %reduce_sum3A_71 = vector.shape_cast %mul3A_70 : vector<1x8xf32> to vector<1x1x8xf32>
      %reduce_sum3A_72 = arith.constant dense<0.000000e+00> : vector<1xf32>
      %reduce_sum3A_73 = vector.multi_reduction <add>, %reduce_sum3A_71, %reduce_sum3A_72 [1, 2] : vector<1x1x8xf32> to vector<1xf32>
      %reduce_sum3A_74 = vector.shape_cast %reduce_sum3A_73 : vector<1xf32> to vector<1x1x1xf32>
      %reduce_sum3A_75 = vector.extract %reduce_sum3A_74[0, 0, 0] : f32 from vector<1x1x1xf32>
      %mul3A_76 = arith.mulf %add3A, %convert_element_type3A_69 : vector<1x8xf32>
      %reduce_sum3A_77 = vector.shape_cast %mul3A_76 : vector<1x8xf32> to vector<1x1x8xf32>
      %reduce_sum3A_78 = arith.constant dense<0.000000e+00> : vector<1xf32>
      %reduce_sum3A_79 = vector.multi_reduction <add>, %reduce_sum3A_77, %reduce_sum3A_78 [1, 2] : vector<1x1x8xf32> to vector<1xf32>
      %reduce_sum3A_80 = vector.shape_cast %reduce_sum3A_79 : vector<1xf32> to vector<1x1x1xf32>
      %reduce_sum3A_81 = vector.extract %reduce_sum3A_80[0, 0, 0] : f32 from vector<1x1x1xf32>
      %eq3A_82 = arith.constant 1.000000e+00 : f32
      %eq3A_83 = vector.broadcast %eq3A_82 : f32 to vector<16x128xf32>
      %eq3A_84 = arith.cmpf oeq, %get3A_29, %eq3A_83 : vector<16x128xf32>
      %jit3A_85 = arith.constant 0.000000e+00 : f32
      %broadcast_in_dim3A_86 = vector.broadcast %reduce_sum3A_75 : f32 to vector<16x128xf32>
      %broadcast_in_dim3A_87 = vector.broadcast %jit3A_85 : f32 to vector<16x128xf32>
      %select_n3A_88 = arith.select %eq3A_84, %broadcast_in_dim3A_86, %broadcast_in_dim3A_87 : vector<16x128xi1>, vector<16x128xf32>
      %add3A_89 = arith.addf %add3A_60, %select_n3A_88 : vector<16x128xf32>
      %ge3A_90 = vector.broadcast %reduce_sum3A_81 : f32 to vector<1x128xf32>
      %ge3A_91 = arith.cmpf oge, %mul3A_37, %ge3A_90 : vector<1x128xf32>
      %convert_element_type3A_92 = arith.extui %ge3A_91 : vector<1x128xi1> to vector<1x128xi32>
      %convert_element_type3A_93 = arith.sitofp %convert_element_type3A_92 : vector<1x128xi32> to vector<1x128xf32>
      %add3A_94 = arith.addf %add3A_64, %convert_element_type3A_93 : vector<1x128xf32>
      %eq3A_95 = arith.constant 2 : i32
      %eq3A_96 = vector.broadcast %eq3A_95 : i32 to vector<1x8xi32>
      %eq3A_97 = arith.cmpi eq, %iota3A_26, %eq3A_96 : vector<1x8xi32>
      %convert_element_type3A_98 = arith.extui %eq3A_97 : vector<1x8xi1> to vector<1x8xi32>
      %convert_element_type3A_99 = arith.sitofp %convert_element_type3A_98 : vector<1x8xi32> to vector<1x8xf32>
      %mul3A_100 = arith.mulf %dot_general3A_24, %convert_element_type3A_99 : vector<1x8xf32>
      %reduce_sum3A_101 = vector.shape_cast %mul3A_100 : vector<1x8xf32> to vector<1x1x8xf32>
      %reduce_sum3A_102 = arith.constant dense<0.000000e+00> : vector<1xf32>
      %reduce_sum3A_103 = vector.multi_reduction <add>, %reduce_sum3A_101, %reduce_sum3A_102 [1, 2] : vector<1x1x8xf32> to vector<1xf32>
      %reduce_sum3A_104 = vector.shape_cast %reduce_sum3A_103 : vector<1xf32> to vector<1x1x1xf32>
      %reduce_sum3A_105 = vector.extract %reduce_sum3A_104[0, 0, 0] : f32 from vector<1x1x1xf32>
      %mul3A_106 = arith.mulf %add3A, %convert_element_type3A_99 : vector<1x8xf32>
      %reduce_sum3A_107 = vector.shape_cast %mul3A_106 : vector<1x8xf32> to vector<1x1x8xf32>
      %reduce_sum3A_108 = arith.constant dense<0.000000e+00> : vector<1xf32>
      %reduce_sum3A_109 = vector.multi_reduction <add>, %reduce_sum3A_107, %reduce_sum3A_108 [1, 2] : vector<1x1x8xf32> to vector<1xf32>
      %reduce_sum3A_110 = vector.shape_cast %reduce_sum3A_109 : vector<1xf32> to vector<1x1x1xf32>
      %reduce_sum3A_111 = vector.extract %reduce_sum3A_110[0, 0, 0] : f32 from vector<1x1x1xf32>
      %eq3A_112 = arith.constant 2.000000e+00 : f32
      %eq3A_113 = vector.broadcast %eq3A_112 : f32 to vector<16x128xf32>
      %eq3A_114 = arith.cmpf oeq, %get3A_29, %eq3A_113 : vector<16x128xf32>
      %jit3A_115 = arith.constant 0.000000e+00 : f32
      %broadcast_in_dim3A_116 = vector.broadcast %reduce_sum3A_105 : f32 to vector<16x128xf32>
      %broadcast_in_dim3A_117 = vector.broadcast %jit3A_115 : f32 to vector<16x128xf32>
      %select_n3A_118 = arith.select %eq3A_114, %broadcast_in_dim3A_116, %broadcast_in_dim3A_117 : vector<16x128xi1>, vector<16x128xf32>
      %add3A_119 = arith.addf %add3A_89, %select_n3A_118 : vector<16x128xf32>
      %ge3A_120 = vector.broadcast %reduce_sum3A_111 : f32 to vector<1x128xf32>
      %ge3A_121 = arith.cmpf oge, %mul3A_37, %ge3A_120 : vector<1x128xf32>
      %convert_element_type3A_122 = arith.extui %ge3A_121 : vector<1x128xi1> to vector<1x128xi32>
      %convert_element_type3A_123 = arith.sitofp %convert_element_type3A_122 : vector<1x128xi32> to vector<1x128xf32>
      %add3A_124 = arith.addf %add3A_94, %convert_element_type3A_123 : vector<1x128xf32>
      %eq3A_125 = arith.constant 3 : i32
      %eq3A_126 = vector.broadcast %eq3A_125 : i32 to vector<1x8xi32>
      %eq3A_127 = arith.cmpi eq, %iota3A_26, %eq3A_126 : vector<1x8xi32>
      %convert_element_type3A_128 = arith.extui %eq3A_127 : vector<1x8xi1> to vector<1x8xi32>
      %convert_element_type3A_129 = arith.sitofp %convert_element_type3A_128 : vector<1x8xi32> to vector<1x8xf32>
      %mul3A_130 = arith.mulf %dot_general3A_24, %convert_element_type3A_129 : vector<1x8xf32>
      %reduce_sum3A_131 = vector.shape_cast %mul3A_130 : vector<1x8xf32> to vector<1x1x8xf32>
      %reduce_sum3A_132 = arith.constant dense<0.000000e+00> : vector<1xf32>
      %reduce_sum3A_133 = vector.multi_reduction <add>, %reduce_sum3A_131, %reduce_sum3A_132 [1, 2] : vector<1x1x8xf32> to vector<1xf32>
      %reduce_sum3A_134 = vector.shape_cast %reduce_sum3A_133 : vector<1xf32> to vector<1x1x1xf32>
      %reduce_sum3A_135 = vector.extract %reduce_sum3A_134[0, 0, 0] : f32 from vector<1x1x1xf32>
      %mul3A_136 = arith.mulf %add3A, %convert_element_type3A_129 : vector<1x8xf32>
      %reduce_sum3A_137 = vector.shape_cast %mul3A_136 : vector<1x8xf32> to vector<1x1x8xf32>
      %reduce_sum3A_138 = arith.constant dense<0.000000e+00> : vector<1xf32>
      %reduce_sum3A_139 = vector.multi_reduction <add>, %reduce_sum3A_137, %reduce_sum3A_138 [1, 2] : vector<1x1x8xf32> to vector<1xf32>
      %reduce_sum3A_140 = vector.shape_cast %reduce_sum3A_139 : vector<1xf32> to vector<1x1x1xf32>
      %reduce_sum3A_141 = vector.extract %reduce_sum3A_140[0, 0, 0] : f32 from vector<1x1x1xf32>
      %eq3A_142 = arith.constant 3.000000e+00 : f32
      %eq3A_143 = vector.broadcast %eq3A_142 : f32 to vector<16x128xf32>
      %eq3A_144 = arith.cmpf oeq, %get3A_29, %eq3A_143 : vector<16x128xf32>
      %jit3A_145 = arith.constant 0.000000e+00 : f32
      %broadcast_in_dim3A_146 = vector.broadcast %reduce_sum3A_135 : f32 to vector<16x128xf32>
      %broadcast_in_dim3A_147 = vector.broadcast %jit3A_145 : f32 to vector<16x128xf32>
      %select_n3A_148 = arith.select %eq3A_144, %broadcast_in_dim3A_146, %broadcast_in_dim3A_147 : vector<16x128xi1>, vector<16x128xf32>
      %add3A_149 = arith.addf %add3A_119, %select_n3A_148 : vector<16x128xf32>
      %ge3A_150 = vector.broadcast %reduce_sum3A_141 : f32 to vector<1x128xf32>
      %ge3A_151 = arith.cmpf oge, %mul3A_37, %ge3A_150 : vector<1x128xf32>
      %convert_element_type3A_152 = arith.extui %ge3A_151 : vector<1x128xi1> to vector<1x128xi32>
      %convert_element_type3A_153 = arith.sitofp %convert_element_type3A_152 : vector<1x128xi32> to vector<1x128xf32>
      %add3A_154 = arith.addf %add3A_124, %convert_element_type3A_153 : vector<1x128xf32>
      %eq3A_155 = arith.constant 4 : i32
      %eq3A_156 = vector.broadcast %eq3A_155 : i32 to vector<1x8xi32>
      %eq3A_157 = arith.cmpi eq, %iota3A_26, %eq3A_156 : vector<1x8xi32>
      %convert_element_type3A_158 = arith.extui %eq3A_157 : vector<1x8xi1> to vector<1x8xi32>
      %convert_element_type3A_159 = arith.sitofp %convert_element_type3A_158 : vector<1x8xi32> to vector<1x8xf32>
      %mul3A_160 = arith.mulf %dot_general3A_24, %convert_element_type3A_159 : vector<1x8xf32>
      %reduce_sum3A_161 = vector.shape_cast %mul3A_160 : vector<1x8xf32> to vector<1x1x8xf32>
      %reduce_sum3A_162 = arith.constant dense<0.000000e+00> : vector<1xf32>
      %reduce_sum3A_163 = vector.multi_reduction <add>, %reduce_sum3A_161, %reduce_sum3A_162 [1, 2] : vector<1x1x8xf32> to vector<1xf32>
      %reduce_sum3A_164 = vector.shape_cast %reduce_sum3A_163 : vector<1xf32> to vector<1x1x1xf32>
      %reduce_sum3A_165 = vector.extract %reduce_sum3A_164[0, 0, 0] : f32 from vector<1x1x1xf32>
      %mul3A_166 = arith.mulf %add3A, %convert_element_type3A_159 : vector<1x8xf32>
      %reduce_sum3A_167 = vector.shape_cast %mul3A_166 : vector<1x8xf32> to vector<1x1x8xf32>
      %reduce_sum3A_168 = arith.constant dense<0.000000e+00> : vector<1xf32>
      %reduce_sum3A_169 = vector.multi_reduction <add>, %reduce_sum3A_167, %reduce_sum3A_168 [1, 2] : vector<1x1x8xf32> to vector<1xf32>
      %reduce_sum3A_170 = vector.shape_cast %reduce_sum3A_169 : vector<1xf32> to vector<1x1x1xf32>
      %reduce_sum3A_171 = vector.extract %reduce_sum3A_170[0, 0, 0] : f32 from vector<1x1x1xf32>
      %eq3A_172 = arith.constant 4.000000e+00 : f32
      %eq3A_173 = vector.broadcast %eq3A_172 : f32 to vector<16x128xf32>
      %eq3A_174 = arith.cmpf oeq, %get3A_29, %eq3A_173 : vector<16x128xf32>
      %jit3A_175 = arith.constant 0.000000e+00 : f32
      %broadcast_in_dim3A_176 = vector.broadcast %reduce_sum3A_165 : f32 to vector<16x128xf32>
      %broadcast_in_dim3A_177 = vector.broadcast %jit3A_175 : f32 to vector<16x128xf32>
      %select_n3A_178 = arith.select %eq3A_174, %broadcast_in_dim3A_176, %broadcast_in_dim3A_177 : vector<16x128xi1>, vector<16x128xf32>
      %add3A_179 = arith.addf %add3A_149, %select_n3A_178 : vector<16x128xf32>
      %ge3A_180 = vector.broadcast %reduce_sum3A_171 : f32 to vector<1x128xf32>
      %ge3A_181 = arith.cmpf oge, %mul3A_37, %ge3A_180 : vector<1x128xf32>
      %convert_element_type3A_182 = arith.extui %ge3A_181 : vector<1x128xi1> to vector<1x128xi32>
      %convert_element_type3A_183 = arith.sitofp %convert_element_type3A_182 : vector<1x128xi32> to vector<1x128xf32>
      %add3A_184 = arith.addf %add3A_154, %convert_element_type3A_183 : vector<1x128xf32>
      %eq3A_185 = arith.constant 5 : i32
      %eq3A_186 = vector.broadcast %eq3A_185 : i32 to vector<1x8xi32>
      %eq3A_187 = arith.cmpi eq, %iota3A_26, %eq3A_186 : vector<1x8xi32>
      %convert_element_type3A_188 = arith.extui %eq3A_187 : vector<1x8xi1> to vector<1x8xi32>
      %convert_element_type3A_189 = arith.sitofp %convert_element_type3A_188 : vector<1x8xi32> to vector<1x8xf32>
      %mul3A_190 = arith.mulf %dot_general3A_24, %convert_element_type3A_189 : vector<1x8xf32>
      %reduce_sum3A_191 = vector.shape_cast %mul3A_190 : vector<1x8xf32> to vector<1x1x8xf32>
      %reduce_sum3A_192 = arith.constant dense<0.000000e+00> : vector<1xf32>
      %reduce_sum3A_193 = vector.multi_reduction <add>, %reduce_sum3A_191, %reduce_sum3A_192 [1, 2] : vector<1x1x8xf32> to vector<1xf32>
      %reduce_sum3A_194 = vector.shape_cast %reduce_sum3A_193 : vector<1xf32> to vector<1x1x1xf32>
      %reduce_sum3A_195 = vector.extract %reduce_sum3A_194[0, 0, 0] : f32 from vector<1x1x1xf32>
      %mul3A_196 = arith.mulf %add3A, %convert_element_type3A_189 : vector<1x8xf32>
      %reduce_sum3A_197 = vector.shape_cast %mul3A_196 : vector<1x8xf32> to vector<1x1x8xf32>
      %reduce_sum3A_198 = arith.constant dense<0.000000e+00> : vector<1xf32>
      %reduce_sum3A_199 = vector.multi_reduction <add>, %reduce_sum3A_197, %reduce_sum3A_198 [1, 2] : vector<1x1x8xf32> to vector<1xf32>
      %reduce_sum3A_200 = vector.shape_cast %reduce_sum3A_199 : vector<1xf32> to vector<1x1x1xf32>
      %reduce_sum3A_201 = vector.extract %reduce_sum3A_200[0, 0, 0] : f32 from vector<1x1x1xf32>
      %eq3A_202 = arith.constant 5.000000e+00 : f32
      %eq3A_203 = vector.broadcast %eq3A_202 : f32 to vector<16x128xf32>
      %eq3A_204 = arith.cmpf oeq, %get3A_29, %eq3A_203 : vector<16x128xf32>
      %jit3A_205 = arith.constant 0.000000e+00 : f32
      %broadcast_in_dim3A_206 = vector.broadcast %reduce_sum3A_195 : f32 to vector<16x128xf32>
      %broadcast_in_dim3A_207 = vector.broadcast %jit3A_205 : f32 to vector<16x128xf32>
      %select_n3A_208 = arith.select %eq3A_204, %broadcast_in_dim3A_206, %broadcast_in_dim3A_207 : vector<16x128xi1>, vector<16x128xf32>
      %add3A_209 = arith.addf %add3A_179, %select_n3A_208 : vector<16x128xf32>
      %ge3A_210 = vector.broadcast %reduce_sum3A_201 : f32 to vector<1x128xf32>
      %ge3A_211 = arith.cmpf oge, %mul3A_37, %ge3A_210 : vector<1x128xf32>
      %convert_element_type3A_212 = arith.extui %ge3A_211 : vector<1x128xi1> to vector<1x128xi32>
      %convert_element_type3A_213 = arith.sitofp %convert_element_type3A_212 : vector<1x128xi32> to vector<1x128xf32>
      %add3A_214 = arith.addf %add3A_184, %convert_element_type3A_213 : vector<1x128xf32>
      %eq3A_215 = arith.constant 6 : i32
      %eq3A_216 = vector.broadcast %eq3A_215 : i32 to vector<1x8xi32>
      %eq3A_217 = arith.cmpi eq, %iota3A_26, %eq3A_216 : vector<1x8xi32>
      %convert_element_type3A_218 = arith.extui %eq3A_217 : vector<1x8xi1> to vector<1x8xi32>
      %convert_element_type3A_219 = arith.sitofp %convert_element_type3A_218 : vector<1x8xi32> to vector<1x8xf32>
      %mul3A_220 = arith.mulf %dot_general3A_24, %convert_element_type3A_219 : vector<1x8xf32>
      %reduce_sum3A_221 = vector.shape_cast %mul3A_220 : vector<1x8xf32> to vector<1x1x8xf32>
      %reduce_sum3A_222 = arith.constant dense<0.000000e+00> : vector<1xf32>
      %reduce_sum3A_223 = vector.multi_reduction <add>, %reduce_sum3A_221, %reduce_sum3A_222 [1, 2] : vector<1x1x8xf32> to vector<1xf32>
      %reduce_sum3A_224 = vector.shape_cast %reduce_sum3A_223 : vector<1xf32> to vector<1x1x1xf32>
      %reduce_sum3A_225 = vector.extract %reduce_sum3A_224[0, 0, 0] : f32 from vector<1x1x1xf32>
      %mul3A_226 = arith.mulf %add3A, %convert_element_type3A_219 : vector<1x8xf32>
      %reduce_sum3A_227 = vector.shape_cast %mul3A_226 : vector<1x8xf32> to vector<1x1x8xf32>
      %reduce_sum3A_228 = arith.constant dense<0.000000e+00> : vector<1xf32>
      %reduce_sum3A_229 = vector.multi_reduction <add>, %reduce_sum3A_227, %reduce_sum3A_228 [1, 2] : vector<1x1x8xf32> to vector<1xf32>
      %reduce_sum3A_230 = vector.shape_cast %reduce_sum3A_229 : vector<1xf32> to vector<1x1x1xf32>
      %reduce_sum3A_231 = vector.extract %reduce_sum3A_230[0, 0, 0] : f32 from vector<1x1x1xf32>
      %eq3A_232 = arith.constant 6.000000e+00 : f32
      %eq3A_233 = vector.broadcast %eq3A_232 : f32 to vector<16x128xf32>
      %eq3A_234 = arith.cmpf oeq, %get3A_29, %eq3A_233 : vector<16x128xf32>
      %jit3A_235 = arith.constant 0.000000e+00 : f32
      %broadcast_in_dim3A_236 = vector.broadcast %reduce_sum3A_225 : f32 to vector<16x128xf32>
      %broadcast_in_dim3A_237 = vector.broadcast %jit3A_235 : f32 to vector<16x128xf32>
      %select_n3A_238 = arith.select %eq3A_234, %broadcast_in_dim3A_236, %broadcast_in_dim3A_237 : vector<16x128xi1>, vector<16x128xf32>
      %add3A_239 = arith.addf %add3A_209, %select_n3A_238 : vector<16x128xf32>
      %ge3A_240 = vector.broadcast %reduce_sum3A_231 : f32 to vector<1x128xf32>
      %ge3A_241 = arith.cmpf oge, %mul3A_37, %ge3A_240 : vector<1x128xf32>
      %convert_element_type3A_242 = arith.extui %ge3A_241 : vector<1x128xi1> to vector<1x128xi32>
      %convert_element_type3A_243 = arith.sitofp %convert_element_type3A_242 : vector<1x128xi32> to vector<1x128xf32>
      %add3A_244 = arith.addf %add3A_214, %convert_element_type3A_243 : vector<1x128xf32>
      %eq3A_245 = arith.constant 7 : i32
      %eq3A_246 = vector.broadcast %eq3A_245 : i32 to vector<1x8xi32>
      %eq3A_247 = arith.cmpi eq, %iota3A_26, %eq3A_246 : vector<1x8xi32>
      %convert_element_type3A_248 = arith.extui %eq3A_247 : vector<1x8xi1> to vector<1x8xi32>
      %convert_element_type3A_249 = arith.sitofp %convert_element_type3A_248 : vector<1x8xi32> to vector<1x8xf32>
      %mul3A_250 = arith.mulf %dot_general3A_24, %convert_element_type3A_249 : vector<1x8xf32>
      %reduce_sum3A_251 = vector.shape_cast %mul3A_250 : vector<1x8xf32> to vector<1x1x8xf32>
      %reduce_sum3A_252 = arith.constant dense<0.000000e+00> : vector<1xf32>
      %reduce_sum3A_253 = vector.multi_reduction <add>, %reduce_sum3A_251, %reduce_sum3A_252 [1, 2] : vector<1x1x8xf32> to vector<1xf32>
      %reduce_sum3A_254 = vector.shape_cast %reduce_sum3A_253 : vector<1xf32> to vector<1x1x1xf32>
      %reduce_sum3A_255 = vector.extract %reduce_sum3A_254[0, 0, 0] : f32 from vector<1x1x1xf32>
      %mul3A_256 = arith.mulf %add3A, %convert_element_type3A_249 : vector<1x8xf32>
      %reduce_sum3A_257 = vector.shape_cast %mul3A_256 : vector<1x8xf32> to vector<1x1x8xf32>
      %reduce_sum3A_258 = arith.constant dense<0.000000e+00> : vector<1xf32>
      %reduce_sum3A_259 = vector.multi_reduction <add>, %reduce_sum3A_257, %reduce_sum3A_258 [1, 2] : vector<1x1x8xf32> to vector<1xf32>
      %reduce_sum3A_260 = vector.shape_cast %reduce_sum3A_259 : vector<1xf32> to vector<1x1x1xf32>
      %reduce_sum3A_261 = vector.extract %reduce_sum3A_260[0, 0, 0] : f32 from vector<1x1x1xf32>
      %eq3A_262 = arith.constant 7.000000e+00 : f32
      %eq3A_263 = vector.broadcast %eq3A_262 : f32 to vector<16x128xf32>
      %eq3A_264 = arith.cmpf oeq, %get3A_29, %eq3A_263 : vector<16x128xf32>
      %jit3A_265 = arith.constant 0.000000e+00 : f32
      %broadcast_in_dim3A_266 = vector.broadcast %reduce_sum3A_255 : f32 to vector<16x128xf32>
      %broadcast_in_dim3A_267 = vector.broadcast %jit3A_265 : f32 to vector<16x128xf32>
      %select_n3A_268 = arith.select %eq3A_264, %broadcast_in_dim3A_266, %broadcast_in_dim3A_267 : vector<16x128xi1>, vector<16x128xf32>
      %add3A_269 = arith.addf %add3A_239, %select_n3A_268 : vector<16x128xf32>
      %ge3A_270 = vector.broadcast %reduce_sum3A_261 : f32 to vector<1x128xf32>
      %ge3A_271 = arith.cmpf oge, %mul3A_37, %ge3A_270 : vector<1x128xf32>
      %convert_element_type3A_272 = arith.extui %ge3A_271 : vector<1x128xi1> to vector<1x128xi32>
      %convert_element_type3A_273 = arith.sitofp %convert_element_type3A_272 : vector<1x128xi32> to vector<1x128xf32>
      %add3A_274 = arith.addf %add3A_244, %convert_element_type3A_273 : vector<1x128xf32>
      %min3A = arith.constant 7.000000e+00 : f32
      %min3A_275 = vector.broadcast %min3A : f32 to vector<1x128xf32>
      %min3A_276 = arith.minimumf %add3A_274, %min3A_275 : vector<1x128xf32>
      %broadcast_in_dim3A_277 = arith.constant 0.000000e+00 : f32
      %broadcast_in_dim3A_278 = vector.broadcast %broadcast_in_dim3A_277 : f32 to vector<1x128xf32>
      %eq3A_279 = arith.constant 0 : i32
      %eq3A_280 = vector.broadcast %eq3A_279 : i32 to vector<1x8xi32>
      %eq3A_281 = arith.cmpi eq, %iota3A_26, %eq3A_280 : vector<1x8xi32>
      %convert_element_type3A_282 = arith.extui %eq3A_281 : vector<1x8xi1> to vector<1x8xi32>
      %convert_element_type3A_283 = arith.sitofp %convert_element_type3A_282 : vector<1x8xi32> to vector<1x8xf32>
      %mul3A_284 = arith.mulf %add3A_25, %convert_element_type3A_283 : vector<1x8xf32>
      %reduce_sum3A_285 = vector.shape_cast %mul3A_284 : vector<1x8xf32> to vector<1x1x8xf32>
      %reduce_sum3A_286 = arith.constant dense<0.000000e+00> : vector<1xf32>
      %reduce_sum3A_287 = vector.multi_reduction <add>, %reduce_sum3A_285, %reduce_sum3A_286 [1, 2] : vector<1x1x8xf32> to vector<1xf32>
      %reduce_sum3A_288 = vector.shape_cast %reduce_sum3A_287 : vector<1xf32> to vector<1x1x1xf32>
      %reduce_sum3A_289 = vector.extract %reduce_sum3A_288[0, 0, 0] : f32 from vector<1x1x1xf32>
      %eq3A_290 = arith.constant 0.000000e+00 : f32
      %eq3A_291 = vector.broadcast %eq3A_290 : f32 to vector<1x128xf32>
      %eq3A_292 = arith.cmpf oeq, %min3A_276, %eq3A_291 : vector<1x128xf32>
      %jit3A_293 = arith.constant 0.000000e+00 : f32
      %broadcast_in_dim3A_294 = vector.broadcast %reduce_sum3A_289 : f32 to vector<1x128xf32>
      %broadcast_in_dim3A_295 = vector.broadcast %jit3A_293 : f32 to vector<1x128xf32>
      %select_n3A_296 = arith.select %eq3A_292, %broadcast_in_dim3A_294, %broadcast_in_dim3A_295 : vector<1x128xi1>, vector<1x128xf32>
      %add3A_297 = arith.addf %broadcast_in_dim3A_278, %select_n3A_296 : vector<1x128xf32>
      %eq3A_298 = arith.constant 1 : i32
      %eq3A_299 = vector.broadcast %eq3A_298 : i32 to vector<1x8xi32>
      %eq3A_300 = arith.cmpi eq, %iota3A_26, %eq3A_299 : vector<1x8xi32>
      %convert_element_type3A_301 = arith.extui %eq3A_300 : vector<1x8xi1> to vector<1x8xi32>
      %convert_element_type3A_302 = arith.sitofp %convert_element_type3A_301 : vector<1x8xi32> to vector<1x8xf32>
      %mul3A_303 = arith.mulf %add3A_25, %convert_element_type3A_302 : vector<1x8xf32>
      %reduce_sum3A_304 = vector.shape_cast %mul3A_303 : vector<1x8xf32> to vector<1x1x8xf32>
      %reduce_sum3A_305 = arith.constant dense<0.000000e+00> : vector<1xf32>
      %reduce_sum3A_306 = vector.multi_reduction <add>, %reduce_sum3A_304, %reduce_sum3A_305 [1, 2] : vector<1x1x8xf32> to vector<1xf32>
      %reduce_sum3A_307 = vector.shape_cast %reduce_sum3A_306 : vector<1xf32> to vector<1x1x1xf32>
      %reduce_sum3A_308 = vector.extract %reduce_sum3A_307[0, 0, 0] : f32 from vector<1x1x1xf32>
      %eq3A_309 = arith.constant 1.000000e+00 : f32
      %eq3A_310 = vector.broadcast %eq3A_309 : f32 to vector<1x128xf32>
      %eq3A_311 = arith.cmpf oeq, %min3A_276, %eq3A_310 : vector<1x128xf32>
      %jit3A_312 = arith.constant 0.000000e+00 : f32
      %broadcast_in_dim3A_313 = vector.broadcast %reduce_sum3A_308 : f32 to vector<1x128xf32>
      %broadcast_in_dim3A_314 = vector.broadcast %jit3A_312 : f32 to vector<1x128xf32>
      %select_n3A_315 = arith.select %eq3A_311, %broadcast_in_dim3A_313, %broadcast_in_dim3A_314 : vector<1x128xi1>, vector<1x128xf32>
      %add3A_316 = arith.addf %add3A_297, %select_n3A_315 : vector<1x128xf32>
      %eq3A_317 = arith.constant 2 : i32
      %eq3A_318 = vector.broadcast %eq3A_317 : i32 to vector<1x8xi32>
      %eq3A_319 = arith.cmpi eq, %iota3A_26, %eq3A_318 : vector<1x8xi32>
      %convert_element_type3A_320 = arith.extui %eq3A_319 : vector<1x8xi1> to vector<1x8xi32>
      %convert_element_type3A_321 = arith.sitofp %convert_element_type3A_320 : vector<1x8xi32> to vector<1x8xf32>
      %mul3A_322 = arith.mulf %add3A_25, %convert_element_type3A_321 : vector<1x8xf32>
      %reduce_sum3A_323 = vector.shape_cast %mul3A_322 : vector<1x8xf32> to vector<1x1x8xf32>
      %reduce_sum3A_324 = arith.constant dense<0.000000e+00> : vector<1xf32>
      %reduce_sum3A_325 = vector.multi_reduction <add>, %reduce_sum3A_323, %reduce_sum3A_324 [1, 2] : vector<1x1x8xf32> to vector<1xf32>
      %reduce_sum3A_326 = vector.shape_cast %reduce_sum3A_325 : vector<1xf32> to vector<1x1x1xf32>
      %reduce_sum3A_327 = vector.extract %reduce_sum3A_326[0, 0, 0] : f32 from vector<1x1x1xf32>
      %eq3A_328 = arith.constant 2.000000e+00 : f32
      %eq3A_329 = vector.broadcast %eq3A_328 : f32 to vector<1x128xf32>
      %eq3A_330 = arith.cmpf oeq, %min3A_276, %eq3A_329 : vector<1x128xf32>
      %jit3A_331 = arith.constant 0.000000e+00 : f32
      %broadcast_in_dim3A_332 = vector.broadcast %reduce_sum3A_327 : f32 to vector<1x128xf32>
      %broadcast_in_dim3A_333 = vector.broadcast %jit3A_331 : f32 to vector<1x128xf32>
      %select_n3A_334 = arith.select %eq3A_330, %broadcast_in_dim3A_332, %broadcast_in_dim3A_333 : vector<1x128xi1>, vector<1x128xf32>
      %add3A_335 = arith.addf %add3A_316, %select_n3A_334 : vector<1x128xf32>
      %eq3A_336 = arith.constant 3 : i32
      %eq3A_337 = vector.broadcast %eq3A_336 : i32 to vector<1x8xi32>
      %eq3A_338 = arith.cmpi eq, %iota3A_26, %eq3A_337 : vector<1x8xi32>
      %convert_element_type3A_339 = arith.extui %eq3A_338 : vector<1x8xi1> to vector<1x8xi32>
      %convert_element_type3A_340 = arith.sitofp %convert_element_type3A_339 : vector<1x8xi32> to vector<1x8xf32>
      %mul3A_341 = arith.mulf %add3A_25, %convert_element_type3A_340 : vector<1x8xf32>
      %reduce_sum3A_342 = vector.shape_cast %mul3A_341 : vector<1x8xf32> to vector<1x1x8xf32>
      %reduce_sum3A_343 = arith.constant dense<0.000000e+00> : vector<1xf32>
      %reduce_sum3A_344 = vector.multi_reduction <add>, %reduce_sum3A_342, %reduce_sum3A_343 [1, 2] : vector<1x1x8xf32> to vector<1xf32>
      %reduce_sum3A_345 = vector.shape_cast %reduce_sum3A_344 : vector<1xf32> to vector<1x1x1xf32>
      %reduce_sum3A_346 = vector.extract %reduce_sum3A_345[0, 0, 0] : f32 from vector<1x1x1xf32>
      %eq3A_347 = arith.constant 3.000000e+00 : f32
      %eq3A_348 = vector.broadcast %eq3A_347 : f32 to vector<1x128xf32>
      %eq3A_349 = arith.cmpf oeq, %min3A_276, %eq3A_348 : vector<1x128xf32>
      %jit3A_350 = arith.constant 0.000000e+00 : f32
      %broadcast_in_dim3A_351 = vector.broadcast %reduce_sum3A_346 : f32 to vector<1x128xf32>
      %broadcast_in_dim3A_352 = vector.broadcast %jit3A_350 : f32 to vector<1x128xf32>
      %select_n3A_353 = arith.select %eq3A_349, %broadcast_in_dim3A_351, %broadcast_in_dim3A_352 : vector<1x128xi1>, vector<1x128xf32>
      %add3A_354 = arith.addf %add3A_335, %select_n3A_353 : vector<1x128xf32>
      %eq3A_355 = arith.constant 4 : i32
      %eq3A_356 = vector.broadcast %eq3A_355 : i32 to vector<1x8xi32>
      %eq3A_357 = arith.cmpi eq, %iota3A_26, %eq3A_356 : vector<1x8xi32>
      %convert_element_type3A_358 = arith.extui %eq3A_357 : vector<1x8xi1> to vector<1x8xi32>
      %convert_element_type3A_359 = arith.sitofp %convert_element_type3A_358 : vector<1x8xi32> to vector<1x8xf32>
      %mul3A_360 = arith.mulf %add3A_25, %convert_element_type3A_359 : vector<1x8xf32>
      %reduce_sum3A_361 = vector.shape_cast %mul3A_360 : vector<1x8xf32> to vector<1x1x8xf32>
      %reduce_sum3A_362 = arith.constant dense<0.000000e+00> : vector<1xf32>
      %reduce_sum3A_363 = vector.multi_reduction <add>, %reduce_sum3A_361, %reduce_sum3A_362 [1, 2] : vector<1x1x8xf32> to vector<1xf32>
      %reduce_sum3A_364 = vector.shape_cast %reduce_sum3A_363 : vector<1xf32> to vector<1x1x1xf32>
      %reduce_sum3A_365 = vector.extract %reduce_sum3A_364[0, 0, 0] : f32 from vector<1x1x1xf32>
      %eq3A_366 = arith.constant 4.000000e+00 : f32
      %eq3A_367 = vector.broadcast %eq3A_366 : f32 to vector<1x128xf32>
      %eq3A_368 = arith.cmpf oeq, %min3A_276, %eq3A_367 : vector<1x128xf32>
      %jit3A_369 = arith.constant 0.000000e+00 : f32
      %broadcast_in_dim3A_370 = vector.broadcast %reduce_sum3A_365 : f32 to vector<1x128xf32>
      %broadcast_in_dim3A_371 = vector.broadcast %jit3A_369 : f32 to vector<1x128xf32>
      %select_n3A_372 = arith.select %eq3A_368, %broadcast_in_dim3A_370, %broadcast_in_dim3A_371 : vector<1x128xi1>, vector<1x128xf32>
      %add3A_373 = arith.addf %add3A_354, %select_n3A_372 : vector<1x128xf32>
      %eq3A_374 = arith.constant 5 : i32
      %eq3A_375 = vector.broadcast %eq3A_374 : i32 to vector<1x8xi32>
      %eq3A_376 = arith.cmpi eq, %iota3A_26, %eq3A_375 : vector<1x8xi32>
      %convert_element_type3A_377 = arith.extui %eq3A_376 : vector<1x8xi1> to vector<1x8xi32>
      %convert_element_type3A_378 = arith.sitofp %convert_element_type3A_377 : vector<1x8xi32> to vector<1x8xf32>
      %mul3A_379 = arith.mulf %add3A_25, %convert_element_type3A_378 : vector<1x8xf32>
      %reduce_sum3A_380 = vector.shape_cast %mul3A_379 : vector<1x8xf32> to vector<1x1x8xf32>
      %reduce_sum3A_381 = arith.constant dense<0.000000e+00> : vector<1xf32>
      %reduce_sum3A_382 = vector.multi_reduction <add>, %reduce_sum3A_380, %reduce_sum3A_381 [1, 2] : vector<1x1x8xf32> to vector<1xf32>
      %reduce_sum3A_383 = vector.shape_cast %reduce_sum3A_382 : vector<1xf32> to vector<1x1x1xf32>
      %reduce_sum3A_384 = vector.extract %reduce_sum3A_383[0, 0, 0] : f32 from vector<1x1x1xf32>
      %eq3A_385 = arith.constant 5.000000e+00 : f32
      %eq3A_386 = vector.broadcast %eq3A_385 : f32 to vector<1x128xf32>
      %eq3A_387 = arith.cmpf oeq, %min3A_276, %eq3A_386 : vector<1x128xf32>
      %jit3A_388 = arith.constant 0.000000e+00 : f32
      %broadcast_in_dim3A_389 = vector.broadcast %reduce_sum3A_384 : f32 to vector<1x128xf32>
      %broadcast_in_dim3A_390 = vector.broadcast %jit3A_388 : f32 to vector<1x128xf32>
      %select_n3A_391 = arith.select %eq3A_387, %broadcast_in_dim3A_389, %broadcast_in_dim3A_390 : vector<1x128xi1>, vector<1x128xf32>
      %add3A_392 = arith.addf %add3A_373, %select_n3A_391 : vector<1x128xf32>
      %eq3A_393 = arith.constant 6 : i32
      %eq3A_394 = vector.broadcast %eq3A_393 : i32 to vector<1x8xi32>
      %eq3A_395 = arith.cmpi eq, %iota3A_26, %eq3A_394 : vector<1x8xi32>
      %convert_element_type3A_396 = arith.extui %eq3A_395 : vector<1x8xi1> to vector<1x8xi32>
      %convert_element_type3A_397 = arith.sitofp %convert_element_type3A_396 : vector<1x8xi32> to vector<1x8xf32>
      %mul3A_398 = arith.mulf %add3A_25, %convert_element_type3A_397 : vector<1x8xf32>
      %reduce_sum3A_399 = vector.shape_cast %mul3A_398 : vector<1x8xf32> to vector<1x1x8xf32>
      %reduce_sum3A_400 = arith.constant dense<0.000000e+00> : vector<1xf32>
      %reduce_sum3A_401 = vector.multi_reduction <add>, %reduce_sum3A_399, %reduce_sum3A_400 [1, 2] : vector<1x1x8xf32> to vector<1xf32>
      %reduce_sum3A_402 = vector.shape_cast %reduce_sum3A_401 : vector<1xf32> to vector<1x1x1xf32>
      %reduce_sum3A_403 = vector.extract %reduce_sum3A_402[0, 0, 0] : f32 from vector<1x1x1xf32>
      %eq3A_404 = arith.constant 6.000000e+00 : f32
      %eq3A_405 = vector.broadcast %eq3A_404 : f32 to vector<1x128xf32>
      %eq3A_406 = arith.cmpf oeq, %min3A_276, %eq3A_405 : vector<1x128xf32>
      %jit3A_407 = arith.constant 0.000000e+00 : f32
      %broadcast_in_dim3A_408 = vector.broadcast %reduce_sum3A_403 : f32 to vector<1x128xf32>
      %broadcast_in_dim3A_409 = vector.broadcast %jit3A_407 : f32 to vector<1x128xf32>
      %select_n3A_410 = arith.select %eq3A_406, %broadcast_in_dim3A_408, %broadcast_in_dim3A_409 : vector<1x128xi1>, vector<1x128xf32>
      %add3A_411 = arith.addf %add3A_392, %select_n3A_410 : vector<1x128xf32>
      %eq3A_412 = arith.constant 7 : i32
      %eq3A_413 = vector.broadcast %eq3A_412 : i32 to vector<1x8xi32>
      %eq3A_414 = arith.cmpi eq, %iota3A_26, %eq3A_413 : vector<1x8xi32>
      %convert_element_type3A_415 = arith.extui %eq3A_414 : vector<1x8xi1> to vector<1x8xi32>
      %convert_element_type3A_416 = arith.sitofp %convert_element_type3A_415 : vector<1x8xi32> to vector<1x8xf32>
      %mul3A_417 = arith.mulf %add3A_25, %convert_element_type3A_416 : vector<1x8xf32>
      %reduce_sum3A_418 = vector.shape_cast %mul3A_417 : vector<1x8xf32> to vector<1x1x8xf32>
      %reduce_sum3A_419 = arith.constant dense<0.000000e+00> : vector<1xf32>
      %reduce_sum3A_420 = vector.multi_reduction <add>, %reduce_sum3A_418, %reduce_sum3A_419 [1, 2] : vector<1x1x8xf32> to vector<1xf32>
      %reduce_sum3A_421 = vector.shape_cast %reduce_sum3A_420 : vector<1xf32> to vector<1x1x1xf32>
      %reduce_sum3A_422 = vector.extract %reduce_sum3A_421[0, 0, 0] : f32 from vector<1x1x1xf32>
      %eq3A_423 = arith.constant 7.000000e+00 : f32
      %eq3A_424 = vector.broadcast %eq3A_423 : f32 to vector<1x128xf32>
      %eq3A_425 = arith.cmpf oeq, %min3A_276, %eq3A_424 : vector<1x128xf32>
      %jit3A_426 = arith.constant 0.000000e+00 : f32
      %broadcast_in_dim3A_427 = vector.broadcast %reduce_sum3A_422 : f32 to vector<1x128xf32>
      %broadcast_in_dim3A_428 = vector.broadcast %jit3A_426 : f32 to vector<1x128xf32>
      %select_n3A_429 = arith.select %eq3A_425, %broadcast_in_dim3A_427, %broadcast_in_dim3A_428 : vector<1x128xi1>, vector<1x128xf32>
      %add3A_430 = arith.addf %add3A_411, %select_n3A_429 : vector<1x128xf32>
      %ge3A_431 = arith.cmpf oge, %mul3A_37, %add3A_430 : vector<1x128xf32>
      %convert_element_type3A_432 = arith.extui %ge3A_431 : vector<1x128xi1> to vector<1x128xi32>
      %convert_element_type3A_433 = arith.sitofp %convert_element_type3A_432 : vector<1x128xi32> to vector<1x128xf32>
      %mul3A_434 = arith.constant 8.000000e+00 : f32
      %mul3A_435 = vector.broadcast %mul3A_434 : f32 to vector<1x128xf32>
      %mul3A_436 = arith.mulf %mul3A_435, %convert_element_type3A_433 : vector<1x128xf32>
      %add3A_437 = arith.addf %min3A_276, %mul3A_436 : vector<1x128xf32>
      %convert_element_type3A_438 = arith.fptosi %add3A_437 : vector<1x128xf32> to vector<1x128xi32>
      %convert_element_type3A_439 = arith.fptosi %add3A_269 : vector<16x128xf32> to vector<16x128xi32>
      %swap3A = arith.constant 0 : index
      %swap3A_440 = arith.constant 0 : index
      %swap3A_441 = vector.load %arg3[%swap3A, %swap3A_440] : memref<16x128xi32, #tpu.memory_space<vmem>>, vector<16x128xi32>
      tpu.vector_store %arg3[%swap3A, %swap3A_440], %convert_element_type3A_439 {strides = array<i32>} : memref<16x128xi32, #tpu.memory_space<vmem>>, vector<16x128xi32>,
      %broadcast_in_dim3A_442 = vector.shape_cast %convert_element_type3A_438 : vector<1x128xi32> to vector<1x128xi32>
      %broadcast_in_dim3A_443 = vector.broadcast %broadcast_in_dim3A_442 : vector<1x128xi32> to vector<8x128xi32>
      %swap3A_444 = arith.constant 0 : index
      %swap3A_445 = arith.constant 0 : index
      %swap3A_446 = vector.load %arg4[%swap3A_444, %swap3A_445] : memref<8x128xi32, #tpu.memory_space<vmem>>, vector<8x128xi32>
      tpu.vector_store %arg4[%swap3A_444, %swap3A_445], %broadcast_in_dim3A_443 {strides = array<i32>} : memref<8x128xi32, #tpu.memory_space<vmem>>, vector<8x128xi32>,
      %mul3A_447 = arith.mulf %get3A_12, %get3A_15 : vector<1x8xf32>
      %reduce_sum3A_448 = vector.shape_cast %mul3A_447 : vector<1x8xf32> to vector<1x1x8xf32>
      %reduce_sum3A_449 = arith.constant dense<0.000000e+00> : vector<1xf32>
      %reduce_sum3A_450 = vector.multi_reduction <add>, %reduce_sum3A_448, %reduce_sum3A_449 [1, 2] : vector<1x1x8xf32> to vector<1xf32>
      %reduce_sum3A_451 = vector.shape_cast %reduce_sum3A_450 : vector<1xf32> to vector<1x1x1xf32>
      %reduce_sum3A_452 = vector.extract %reduce_sum3A_451[0, 0, 0] : f32 from vector<1x1x1xf32>
      %mul3A_453 = arith.constant 8.000000e+00 : f32
      %mul3A_454 = arith.mulf %reduce_sum3A_452, %mul3A_453 : f32
      %div3A_455 = arith.constant 0x4A800000 : f32
      %div3A_456 = arith.divf %mul3A_454, %div3A_455 : f32
      %swap3A_457 = arith.constant 0 : index
      %swap3A_458 = arith.constant 0 : index
      %swap3A_459 = memref.load %arg5[%swap3A_457, %swap3A_458] : memref<1x1xf32, #tpu.memory_space<smem>>
      memref.store %div3A_456, %arg5[%swap3A_457, %swap3A_458] : memref<1x1xf32, #tpu.memory_space<smem>>
    } else {
    }
    return
  }
  func.func @transform_0(%arg0: i32) -> (i32, i32) {
    %min3A = arith.constant 3 : i32
    %min3A_0 = arith.minsi %arg0, %min3A : i32
    %c0_i32 = arith.constant 0 : i32
    %c0_i32_1 = arith.constant 0 : i32
    return %min3A_0, %c0_i32 : i32, i32
  }
  func.func @transform_1(%arg0: i32) -> (i32, i32) {
    %c0_i32 = arith.constant 0 : i32
    %c0_i32_0 = arith.constant 0 : i32
    %c0_i32_1 = arith.constant 0 : i32
    return %c0_i32, %c0_i32_0 : i32, i32
  }
  func.func @transform_2(%arg0: i32) -> (i32, i32) {
    %c0_i32 = arith.constant 0 : i32
    %c0_i32_0 = arith.constant 0 : i32
    %c0_i32_1 = arith.constant 0 : i32
    return %c0_i32, %c0_i32_0 : i32, i32
  }
  func.func @transform_3(%arg0: i32) -> (i32, i32) {
    %c0_i32 = arith.constant 0 : i32
    %c0_i32_0 = arith.constant 0 : i32
    %c0_i32_1 = arith.constant 0 : i32
    return %c0_i32, %c0_i32_0 : i32, i32
  }
  func.func @transform_4(%arg0: i32) -> (i32, i32) {
    %c0_i32 = arith.constant 0 : i32
    %c0_i32_0 = arith.constant 0 : i32
    %c0_i32_1 = arith.constant 0 : i32
    return %c0_i32, %c0_i32_0 : i32, i32
  }
}

</mosaic_0001>

<sc_bundles>
// kernel: kernel.6.cloned.1.call-start
scs
__scs_entry_jumppad:
0x0: {  	(pc) =	sbr.rel $0x88, $3  }
0x1: {  	(tag) =	ssettag $0x0;
	lr =	simm.s32 $0x1  }
0x2: {  	[smem:$0x3F9D] =	sst lr;
	_ =	strace $0xD0000000  }
0x3: {  	_ = 	snop  }
0x4: {  	_ = 	snop  }
0x5: {  	_ = 	snop  }
0x6: {  	_ = 	snop  }
0x7: {  	_ = 	snop  }
__scs_overlays_trampoline_lowered:
0x8: {  	[smem:$0x3FAC] =	sst s0  }
0x9: {  	[smem:$0x3FAD] =	sst s1  }
0xa: {  	[smem:$0x3FAE] =	sst s2  }
0xb: {  	[smem:$0x3FAF] =	sst s3  }
0xc: {  	[smem:$0x3FB0] =	sst s4  }
0xd: {  	[smem:$0x3FB1] =	sst s5  }
0xe: {  	[smem:$0x3FB2] =	sst s6  }
0xf: {  	[smem:$0x3FB3] =	sst s7  }
0x10: {  	[smem:$0x3FB4] =	sst s8  }
0x11: {  	[smem:$0x3FB5] =	sst s9;
	s0 =	simm.s32 @!p0 $0x0  }
0x12: {  	s1 =	sld [smem:$0x3F9B];
	s0 =	simm.s32 @p0 $0x1  }
0x13: {  	[smem:$0x3FB6] =	sst s0;
	s0 =	simm.s32 @!p1 $0x0  }
0x14: {  	s2 =	sld [smem:$0x3F9A];
	s0 =	simm.s32 @p1 $0x1  }
0x15: {  	[smem:$0x3FB7] =	sst s0;
	s0 =	simm.s32 @!p2 $0x0  }
0x16: {  	s3 =	sld [smem:$0x3FDB];
	s0 =	simm.s32 @p2 $0x1  }
0x17: {  	s4 =	simm.s32 $0x1BF5;
	[smem:$0x3FB9] =	sst s0  }
0x18: {  	s0 =	sld [smem:$0x3F9C];
	_ =	swait.ge [sflag:s4], $0x0  }
0x19: {  	s7 =	sld [smem:$0x3F9D]  }
0x1a: {  	s8 =	sadd.s32 $0xFFFFE003, lr  }
0x1b: {  	s9 =	sadd.s32 $0xFFFFFEF7, lr;
	s5 =	simm.s32 $0xFFFFFFFF;
	p2 =	slt.u32 s8, $0xFFFFF086  }
0x1c: {  	p1 =	slt.u32 s9, $0xF7A;
	s5 =	simm.s32 @!p2 $0x0  }
0x1d: {  	s5 =	simm.s32 @p1 $0x1;
	p0 =	seq.s32 s7, s2  }
0x1e: {  	s7 =	smul.u32 @!p0 $0xF7A, s2;
	p2 =	seq.s32 @!p0 s5, $0x0  }
0x1f: {  	s9 =	smul.u32 $0xF7A, s1;
	s8 =	simm.s32 @!p0 $0x1BF5;
	p2 =	por !p2, p0  }
0x20: {  	[sflag:s8] =	ssyncset.s32 @!p0 $0xFFFFF086;
	s6 =	sadd.s32 @!p0 s3, s7;
	s7 =	simm.s32 @!p0 $0x108  }
0x21: {  	s3 =	sadd.s32 s3, s9;
	s6 =	sadd.s32 @!p0 $0x88, s6;
	s7 =	simm.s32 @p2 $0x1082  }
0x22: {  	[simem:s7], [sflag:s8] =	dma.local @!p0 [hbm:s6], $0xF7A  }
0x23: {  	s9 =	sor.u32 $0xD0000000, s2;
	s6 =	simm.s32 $0x108;
	_ =	swait.ge @!p0 [sflag:s8], $0x0  }
0x24: {  	s3 =	sadd.s32 $0x88, s3;
	s6 =	simm.s32 @!p1 $0x1082;
	[sflag:s4] =	ssyncset.s32 $0xFFFFF086  }
0x25: {  	[simem:s6], [sflag:s4] =	dma.local [hbm:s3], $0xF7A  }
0x26: {  	[smem:$0x3F9D] =	sst s1;
	(tag) =	ssettag s2;
	_ =	strace s9  }
0x27: {  	s1 =	sld [smem:$0x3FAD]  }
0x28: {  	s2 =	sld [smem:$0x3FAE]  }
0x29: {  	s4 =	sld [smem:$0x3FB0]  }
0x2a: {  	p0 =	seq.s32 s5, $0x0;
	s5 =	sld [smem:$0x3FB1]  }
0x2b: {  	s6 =	sld [smem:$0x3FB2]  }
0x2c: {  	s7 =	sld [smem:$0x3FB3]  }
0x2d: {  	s3 =	simm.s32 $0x108;
	s8 =	sld [smem:$0x3FB4]  }
0x2e: {  	s3 =	simm.s32 @!p0 $0x1082;
	s9 =	sld [smem:$0x3FB5]  }
0x2f: {  	lr =	sadd.s32 s0, s3;
	s0 =	sld [smem:$0x3FAC]  }
0x30: {  	s3 =	sld [smem:$0x3FAF]  }
0x31: {  	[smem:$0x3FB8] =	sst s10  }
0x32: {  	s10 =	sld [smem:$0x3FB6];
	_ =	sdelay $0x3  }
0x33: {  	p0 =	seq.s32 s10, $0x1;
	s10 =	sld [smem:$0x3FB8];
	_ =	sdelay $0x3  }
0x34: {  	[smem:$0x3FB8] =	sst s10  }
0x35: {  	s10 =	sld [smem:$0x3FB7];
	_ =	sdelay $0x3  }
0x36: {  	p1 =	seq.s32 s10, $0x1;
	s10 =	sld [smem:$0x3FB8];
	_ =	sdelay $0x3  }
0x37: {  	[smem:$0x3FB8] =	sst s10  }
0x38: {  	s10 =	sld [smem:$0x3FB9]  }
0x39: {  	_ = 	snop;
	(pc) =	sbr.ind lr, $3  }
0x3a: {  	_ = 	snop  }
0x3b: {  	_ = 	snop  }
0x3c: {  	p2 =	seq.s32 s10, $0x1;
	s10 =	sld [smem:$0x3FB8]  }
0x3d: {  	_ =	shalt  }
0x3e: {  	_ =	shalt  }
0x3f: {  	_ =	shalt  }
0x40: {  	_ =	shalt  }
0x41: {  	_ =	shalt  }
0x42: {  	_ =	shalt  }
0x43: {  	_ =	shalt  }
0x44: {  	_ =	shalt  }
0x45: {  	_ =	shalt  }
0x46: {  	_ =	shalt  }
0x47: {  	_ =	shalt  }
0x48: {  	_ =	shalt  }
0x49: {  	_ =	shalt  }
0x4a: {  	_ =	shalt  }
0x4b: {  	_ =	shalt  }
0x4c: {  	_ =	shalt  }
0x4d: {  	_ =	shalt  }
0x4e: {  	_ =	shalt  }
0x4f: {  	_ =	shalt  }
0x50: {  	_ =	shalt  }
0x51: {  	_ =	shalt  }
0x52: {  	_ =	shalt  }
0x53: {  	_ =	shalt  }
0x54: {  	_ =	shalt  }
0x55: {  	_ =	shalt  }
0x56: {  	_ =	shalt  }
0x57: {  	_ =	shalt  }
0x58: {  	_ =	shalt  }
0x59: {  	_ =	shalt  }
0x5a: {  	_ =	shalt  }
0x5b: {  	_ =	shalt  }
0x5c: {  	_ =	shalt  }
0x5d: {  	_ =	shalt  }
0x5e: {  	_ =	shalt  }
0x5f: {  	_ =	shalt  }
0x60: {  	_ =	shalt  }
0x61: {  	_ =	shalt  }
0x62: {  	_ =	shalt  }
0x63: {  	_ =	shalt  }
0x64: {  	_ =	shalt  }
0x65: {  	_ =	shalt  }
0x66: {  	_ =	shalt  }
0x67: {  	_ =	shalt  }
0x68: {  	_ =	shalt  }
0x69: {  	_ =	shalt  }
0x6a: {  	_ =	shalt  }
0x6b: {  	_ =	shalt  }
0x6c: {  	_ =	shalt  }
0x6d: {  	_ =	shalt  }
0x6e: {  	_ =	shalt  }
0x6f: {  	_ =	shalt  }
0x70: {  	_ =	shalt  }
0x71: {  	_ =	shalt  }
0x72: {  	_ =	shalt  }
0x73: {  	_ =	shalt  }
0x74: {  	_ =	shalt  }
0x75: {  	_ =	shalt  }
0x76: {  	_ =	shalt  }
0x77: {  	_ =	shalt  }
0x78: {  	_ =	shalt  }
0x79: {  	_ =	shalt  }
0x7a: {  	_ =	shalt  }
0x7b: {  	_ =	shalt  }
0x7c: {  	_ =	shalt  }
0x7d: {  	_ =	shalt  }
0x7e: {  	_ =	shalt  }
0x7f: {  	_ =	shalt  }
0x80: {  	_ =	shalt  }
0x81: {  	_ =	shalt  }
0x82: {  	_ =	shalt  }
0x83: {  	_ =	shalt  }
0x84: {  	_ =	shalt  }
0x85: {  	_ =	shalt  }
0x86: {  	_ =	shalt  }
0x87: {  	_ =	shalt  }
.Lfunc_end0:
.L_simem_size_0:
called_computation_lowered:
.L_overlay_start_0:
0x88: {  	s2 =	sld [smem:$0x3FD9]  }
0x89: {  	s3 =	sld [smem:$0x3FFE];
	_ =	sdelay $0x1  }
0x8a: {  	s1 =	srdreg.scid  }
0x8b: {  	s0 =	sand.u32 $0x1, s1  }
0x8c: {  	s17 =	sshll.u32 s0, $0xA;
	s2 =	sadd.s32 s3, s2  }
0x8d: {  	s2 =	sadd.s32 s2, s17  }
0x8e: {  	[smem:$0x3FC4] =	sst s2  }
0x8f: {  	_ = 	snop  }
0x90: {  	s2 =	sld [smem:$0x3FC9];
	(tm) =	ssettm $0x1  }
0x91: {  	s18 =	sld [smem:$0x3FFB];
	_ =	sdelay $0x3  }
0x92: {  	_ =	strace s18  }
0x93: {  	s3 =	sld [smem:$0x3FFC];
	_ =	sdelay $0x3  }
0x94: {  	_ =	strace s3  }
0x95: {  	s3 =	sld [smem:$0x3FFD];
	_ =	sdelay $0x3  }
0x96: {  	_ =	strace s3  }
0x97: {  	_ =	strace $0x8FFFFFFF  }
0x98: {  	s19 =	sld [smem:$0x3FDB];
	_ =	sdelay $0x1  }
0x99: {  	s4 =	simm.s32 $_scs_section_size  }
0x9a: {  	s5 =	simm.s32 $_size__tile_overlayer_lowered;
	s6 =	simm.s32 $_tile_overlayer_lowered  }
0x9b: {  	s22 =	simm.s32 $0x1BFF;
	s21 =	sshll.u32 s6, $0x1;
	s3 =	sadd.s32 s4, s19  }
0x9c: {  	s7 =	simm.s32 $0x0;
	s20 =	sshll.u32 s5, $0x1;
	s5 =	sadd.s32 s21, s3  }
0x9d: {  	[timem:s7], [sflag:s22] =	dma.local [hbm:s5], s20  }
0x9e: {  	_ =	swait.ge [sflag:s22], s20  }
0x9f: {  	s4 =	ssub.s32 $0x0, s20;
	[sflag:s22] =	ssyncset.done $0x0  }
0xa0: {  	[sflag:s22] =	ssyncadd.s32 s4;
	_ =	sdelay $0x1  }
0xa1: {  	s23 =	simm.s32 $0x1B8B  }
0xa2: {  	_ =	swait.ge [sflag:s23], $0x1  }
0xa3: {  	[sflag:s23] =	ssyncset.done $0x0  }
0xa4: {  	s25 =	simm.s32 $0x1B8E;
	s24 =	sld [smem:$0x3FFE];
	[sflag:s23] =	ssyncadd.s32 $0xFFFFFFFF  }
0xa5: {  	s26 =	simm.s32 $execute0_lowered;
	[smem:$0x3FD2] =	sst s25  }
0xa6: {  	s5 =	sshll.u32 s26, $0x1;
	_ =	strace $0x80000046;
	[dreg:$0x1] =	wrdreg $0xFFFFFFFF  }
0xa7: {  	s28 =	simm.s32 $_size_execute0_lowered;
	s3 =	sadd.s32 s3, s5;
	[dreg:$0x0] =	wrdreg $0x0  }
0xa8: {  	s5 =	sshll.u32 s28, $0x1;
	[dreg:$0x2] =	wrdreg s3  }
0xa9: {  	[dreg:$0x3] =	wrdreg s5  }
0xaa: {  	[dreg:$0x4] =	wrdreg $0xC0  }
0xab: {  	_ =	task [dreg:s7], $0x5FFFF  }
0xac: {  	[dreg:$0x1] =	wrdreg $0xFFFFFFFF  }
0xad: {  	[dreg:$0x0] =	wrdreg $0x60  }
0xae: {  	[dreg:$0x2] =	wrdreg s2  }
0xaf: {  	[dreg:$0x3] =	wrdreg s24  }
0xb0: {  	[dreg:$0x4] =	wrdreg $0x9  }
0xb1: {  	_ =	task.clear_ibuf [dreg:s7], $0x5FFFF;
	_ =	strace $0x90000046  }
0xb2: {  	s29 =	simm.s32 $0x9;
	_ =	strace $0x80000048  }
0xb3: {  	_ =	swait.ge [sflag:s29], $0x1  }
0xb4: {  	[sflag:s29] =	ssyncadd.s32 $0xFFFFFFFF  }
0xb5: {  	_ =	strace $0x90000048  }
0xb6: {  	_ =	sfence  }
0xb7: {  	s30 =	sld [smem:$0x0];
	_ =	sdelay $0x2  }
0xb8: {  	s31 =	sshll.u32 s1, $0xD;
	s1 =	sshrl.u32 s1, $0x2  }
0xb9: {  	s3 =	sand.u32 $0x4000, s31;
	s1 =	sadd.s32 s1, s30  }
0xba: {  	s0 =	sor.u32 s3, s0;
	s1 =	sshll.u32 s1, $0x11  }
0xbb: {  	s0 =	sor.u32 s1, s0  }
0xbc: {  	s0 =	sadd.s32 $0x8F2B, s0  }
0xbd: {  	[sflag:s0] =	ssyncadd.remote.s32 $0x1  }
0xbe: {  	_ =	sfence.sel $0xFFFF  }
0xbf: {  	[dreg:$0x0] =	wrdreg $0xFFFFFFFF;
	(pc) =	sbr.abs _section_cstart, $3  }
0xc0: {  	[dreg:$0x1] =	wrdreg $0xFFFFFFFF  }
0xc1: {  	_ =	task.clear_ibuf [dreg:s7], $0x2FFFF;
	_ =	strace $0x9FFFFFFF  }
0xc2: {  	(tm) =	ssettm $0x7FFFFFFF  }
0xc3: {  	_ =	shalt  }
tec
execute0_lowered:
.L_overlay_start_1:
0x0: {  	(tag) =	ssettag $0x1  }
0x1: {  	s1 =	srdreg.scid  }
0x2: {  	s0 =	stileid.u32;
	s3 =	rddreg [dreg:$0x0]  }
0x3: {  	s6 =	rddreg [dreg:$0x1];
	s18 =	simm.s32 $0x880;
	s19 =	simm.s32 $0x1080  }
0x4: {  	s20 =	simm.s32 $0x1880;
	s22 =	simm.s32 $0x2080;
	s23 =	simm.s32 $0x2880  }
0x5: {  	s7 =	simm.s32 $0x3080;
	s24 =	simm.s32 $0x3880;
	s8 =	simm.s32 $0x4080  }
0x6: {  	s25 =	simm.s32 $0x4880;
	s26 =	simm.s32 $0x5080;
	s1 =	sand.u32 $0x1, s1  }
0x7: {  	s9 =	simm.s32 $0x80;
	s2 =	sshll.u32 s0, $0x7;
	s4 =	sshll.u32 s1, $0x6  }
0x8: {  	s11 =	simm.s32 $0x6080;
	s4 =	sor.u32 s4, s2;
	s2 =	simm.s32 $0x0  }
0x9: {  	s12 =	simm.s32 $0x6880;
	s13 =	simm.s32 $0x7080;
	[smem:$0x7FF] =	sst s2  }
0xa: {  	s14 =	simm.s32 $0x7880;
	_ =	strace $0x80000047;
	[dreg:$0x5] =	wrdreg s18  }
0xb: {  	s15 =	simm.s32 $0x8080;
	s16 =	simm.s32 $0x8880;
	[dreg:$0x6] =	wrdreg s19  }
0xc: {  	s17 =	simm.s32 $0x9080;
	s28 =	simm.s32 $0xE080;
	[dreg:$0x7] =	wrdreg s20  }
0xd: {  	s29 =	simm.s32 $0xE880;
	s30 =	simm.s32 $0xF080;
	[dreg:$0x8] =	wrdreg s22  }
0xe: {  	s31 =	simm.s32 $0xF880;
	s1 =	ssub.s32 $0x2, s1;
	[dreg:$0x9] =	wrdreg s23  }
0xf: {  	s21 =	sshrl.u32 s1, $0x1;
	s5 =	sshrl.u32 s4, $0x3;
	[dreg:$0xa] =	wrdreg s7  }
0x10: {  	s4 =	sshll.u32 s4, $0x7;
	s1 =	ssub.s32 s1, s21;
	[dreg:$0xb] =	wrdreg s24  }
0x11: {  	s21 =	simm.s32 $0xB080;
	s5 =	sadd.s32 s5, s6;
	[dreg:$0xc] =	wrdreg s8  }
0x12: {  	s3 =	sadd.s32 s3, s4;
	s4 =	sadd.s32 $0x1500, s6;
	[dreg:$0xd] =	wrdreg s25  }
0x13: {  	s7 =	smax.u32 s1, $0x1;
	s8 =	simm.s32 $0x2;
	[dreg:$0xe] =	wrdreg s26  }
0x14: {  	s18 =	simm.s32 $0x9880;
	s19 =	simm.s32 $0xA080;
	s20 =	simm.s32 $0xA880  }
0x15: {  	s22 =	simm.s32 $0xB880;
	s23 =	simm.s32 $0xC080;
	s24 =	simm.s32 $0xC880  }
0x16: {  	v2 =	vlaneseq.u32;
	s25 =	simm.s32 $0xD080;
	s26 =	simm.s32 $0xD880;
	s1 =	simm.s32 $0x1  }
0x17: {  	vm0 =	vmmov $0xffff;
	v1 =	vshrl.u32 v2, $0x3;
	s5 =	sadd.s32 $0x1200, s5;
	[dreg:$0x4] =	wrdreg s3;
	s3 =	sadd.s32 $0x1400, s6  }
0x18: {  	v0 =	vand.u32 $0x7, v2;
	v2 =	vor.u32 $0x8, v2;
	v1 =	vmul.u32 $0x8, v1;
	[dreg:$0x3] =	wrdreg s5;
	s5 =	sadd.s32 $0x1600, s6;
	s6 =	sadd.s32 $0x1700, s6  }
.LBB2_1:
0x19: {  	s0 =	rddreg [dreg:$0x3]  }
0x1a: {  	[tilespmem:s2], [sflag:$0x2] =	stream.linear.gather [hbm4b:s0+s2], $0x40, $0x38;
	[tilespmem:$0x10080] =	vst v63  }
0x1b: {  	_ =	swait.ge [sflag:s8], $0x40  }
0x1c: {  	[sflag:s8] =	ssyncset.done $0x0  }
0x1d: {  	s10 =	rddreg [dreg:$0x4];
	[sflag:s8] =	ssyncadd.s32 $0xFFFFFFC0  }
0x1e: {  	[tilespmem:s9], [sflag:$0x2] =	stream.linear.gather [hbm4b:s10+s2], $0x10000, $0x38;
	[tilespmem:$0x10080] =	vst v63  }
0x1f: {  	_ =	swait.ge [sflag:s8], $0x10000  }
0x20: {  	[sflag:s8] =	ssyncset.done $0x0  }
0x21: {  	[sflag:s8] =	ssyncadd.s32 $0xFFFF0000  }
0x22: {  	v3 =	vld [tilespmem:$0x0];
	_ =	sdelay $0x4  }
0x23: {  	v4 =	vshll.u32 v3, $0x3  }
0x24: {  	v3 =	vand.u32 $0x7, v3;
	v4 =	vand.u32 $0xFFFFFFC0, v4  }
0x25: {  	v3 =	vor.u32 v3, v4  }
0x26: {  	v4 =	vperm.xlane v3, v0;
	_ =	sdelay $0x1  }
0x27: {  	v4 =	vadd.s32 v1, v4;
	_ =	sdelay $0x4  }
0x28: {  	[hbm4b:s3+s2] =	stream.indirect_vreg.scatter [tilespmem:s9], [sflag:$0x1], $0x80, v4, vm0, $0xb8;
	[tilespmem:$0x10080] =	vst v63  }
0x29: {  	s0 =	rddreg [dreg:$0x5];
	v3 =	vperm.xlane v3, v2  }
0x2a: {  	[hbm4b:s4+s2] =	stream.indirect_vreg.scatter [tilespmem:s0], [sflag:$0x1], $0x80, v4, vm0, $0xb8;
	[tilespmem:$0x10080] =	vst v63  }
0x2b: {  	s10 =	rddreg [dreg:$0x6];
	v3 =	vadd.s32 v1, v3  }
0x2c: {  	[hbm4b:s5+s2] =	stream.indirect_vreg.scatter [tilespmem:s10], [sflag:$0x1], $0x80, v4, vm0, $0xb8;
	[tilespmem:$0x10080] =	vst v63  }
0x2d: {  	s0 =	rddreg [dreg:$0x7]  }
0x2e: {  	[hbm4b:s6+s2] =	stream.indirect_vreg.scatter [tilespmem:s0], [sflag:$0x1], $0x80, v4, vm0, $0xb8;
	[tilespmem:$0x10080] =	vst v63  }
0x2f: {  	s10 =	rddreg [dreg:$0x8]  }
0x30: {  	[hbm4b:s3+s2] =	stream.indirect_vreg.scatter [tilespmem:s10], [sflag:$0x1], $0x80, v3, vm0, $0xb8;
	[tilespmem:$0x10080] =	vst v63  }
0x31: {  	s0 =	rddreg [dreg:$0x9]  }
0x32: {  	[hbm4b:s4+s2] =	stream.indirect_vreg.scatter [tilespmem:s0], [sflag:$0x1], $0x80, v3, vm0, $0xb8;
	[tilespmem:$0x10080] =	vst v63  }
0x33: {  	s10 =	rddreg [dreg:$0xa]  }
0x34: {  	[hbm4b:s5+s2] =	stream.indirect_vreg.scatter [tilespmem:s10], [sflag:$0x1], $0x80, v3, vm0, $0xb8;
	[tilespmem:$0x10080] =	vst v63  }
0x35: {  	s0 =	rddreg [dreg:$0xb]  }
0x36: {  	[hbm4b:s6+s2] =	stream.indirect_vreg.scatter [tilespmem:s0], [sflag:$0x1], $0x80, v3, vm0, $0xb8;
	[tilespmem:$0x10080] =	vst v63  }
0x37: {  	v3 =	vld [tilespmem:$0x10];
	_ =	sdelay $0x4  }
0x38: {  	v61 =	vshll.u32 v3, $0x3  }
0x39: {  	v3 =	vand.u32 $0x7, v3;
	v4 =	vand.u32 $0xFFFFFFC0, v61  }
0x3a: {  	v3 =	vor.u32 v3, v4  }
0x3b: {  	v4 =	vperm.xlane v3, v0;
	_ =	sdelay $0x1  }
0x3c: {  	v4 =	vadd.s32 v1, v4;
	_ =	sdelay $0x3  }
0x3d: {  	s0 =	rddreg [dreg:$0xc]  }
0x3e: {  	[hbm4b:s3+s2] =	stream.indirect_vreg.scatter [tilespmem:s0], [sflag:$0x1], $0x80, v4, vm0, $0xb8;
	[tilespmem:$0x10080] =	vst v63  }
0x3f: {  	s10 =	rddreg [dreg:$0xd];
	v3 =	vperm.xlane v3, v2  }
0x40: {  	[hbm4b:s4+s2] =	stream.indirect_vreg.scatter [tilespmem:s10], [sflag:$0x1], $0x80, v4, vm0, $0xb8;
	[tilespmem:$0x10080] =	vst v63  }
0x41: {  	v3 =	vadd.s32 v1, v3;
	s0 =	rddreg [dreg:$0xe]  }
0x42: {  	[hbm4b:s5+s2] =	stream.indirect_vreg.scatter [tilespmem:s0], [sflag:$0x1], $0x80, v4, vm0, $0xb8;
	[tilespmem:$0x10080] =	vst v63  }
0x43: {  	s10 =	simm.s32 $0x5880  }
0x44: {  	[hbm4b:s6+s2] =	stream.indirect_vreg.scatter [tilespmem:s10], [sflag:$0x1], $0x80, v4, vm0, $0xb8;
	[tilespmem:$0x10080] =	vst v63  }
0x45: {  	_ = 	snop  }
0x46: {  	[hbm4b:s3+s2] =	stream.indirect_vreg.scatter [tilespmem:s11], [sflag:$0x1], $0x80, v3, vm0, $0xb8;
	[tilespmem:$0x10080] =	vst v63  }
0x47: {  	_ = 	snop  }
0x48: {  	[hbm4b:s4+s2] =	stream.indirect_vreg.scatter [tilespmem:s12], [sflag:$0x1], $0x80, v3, vm0, $0xb8;
	[tilespmem:$0x10080] =	vst v63  }
0x49: {  	_ = 	snop  }
0x4a: {  	[hbm4b:s5+s2] =	stream.indirect_vreg.scatter [tilespmem:s13], [sflag:$0x1], $0x80, v3, vm0, $0xb8;
	[tilespmem:$0x10080] =	vst v63  }
0x4b: {  	_ = 	snop  }
0x4c: {  	[hbm4b:s6+s2] =	stream.indirect_vreg.scatter [tilespmem:s14], [sflag:$0x1], $0x80, v3, vm0, $0xb8;
	[tilespmem:$0x10080] =	vst v63  }
0x4d: {  	v3 =	vld [tilespmem:$0x20];
	_ =	sdelay $0x4  }
0x4e: {  	v62 =	vshll.u32 v3, $0x3  }
0x4f: {  	v3 =	vand.u32 $0x7, v3;
	v4 =	vand.u32 $0xFFFFFFC0, v62  }
0x50: {  	v3 =	vor.u32 v3, v4  }
0x51: {  	v4 =	vperm.xlane v3, v0;
	_ =	sdelay $0x1  }
0x52: {  	v4 =	vadd.s32 v1, v4;
	_ =	sdelay $0x4  }
0x53: {  	[hbm4b:s3+s2] =	stream.indirect_vreg.scatter [tilespmem:s15], [sflag:$0x1], $0x80, v4, vm0, $0xb8;
	[tilespmem:$0x10080] =	vst v63  }
0x54: {  	v3 =	vperm.xlane v3, v2  }
0x55: {  	[hbm4b:s4+s2] =	stream.indirect_vreg.scatter [tilespmem:s16], [sflag:$0x1], $0x80, v4, vm0, $0xb8;
	[tilespmem:$0x10080] =	vst v63  }
0x56: {  	v3 =	vadd.s32 v1, v3  }
0x57: {  	[hbm4b:s5+s2] =	stream.indirect_vreg.scatter [tilespmem:s17], [sflag:$0x1], $0x80, v4, vm0, $0xb8;
	[tilespmem:$0x10080] =	vst v63  }
0x58: {  	_ = 	snop  }
0x59: {  	[hbm4b:s6+s2] =	stream.indirect_vreg.scatter [tilespmem:s18], [sflag:$0x1], $0x80, v4, vm0, $0xb8;
	[tilespmem:$0x10080] =	vst v63  }
0x5a: {  	_ = 	snop  }
0x5b: {  	[hbm4b:s3+s2] =	stream.indirect_vreg.scatter [tilespmem:s19], [sflag:$0x1], $0x80, v3, vm0, $0xb8;
	[tilespmem:$0x10080] =	vst v63  }
0x5c: {  	_ = 	snop  }
0x5d: {  	[hbm4b:s4+s2] =	stream.indirect_vreg.scatter [tilespmem:s20], [sflag:$0x1], $0x80, v3, vm0, $0xb8;
	[tilespmem:$0x10080] =	vst v63  }
0x5e: {  	_ = 	snop  }
0x5f: {  	[hbm4b:s5+s2] =	stream.indirect_vreg.scatter [tilespmem:s21], [sflag:$0x1], $0x80, v3, vm0, $0xb8;
	[tilespmem:$0x10080] =	vst v63  }
0x60: {  	_ = 	snop  }
0x61: {  	[hbm4b:s6+s2] =	stream.indirect_vreg.scatter [tilespmem:s22], [sflag:$0x1], $0x80, v3, vm0, $0xb8;
	[tilespmem:$0x10080] =	vst v63  }
0x62: {  	v3 =	vld [tilespmem:$0x30];
	_ =	sdelay $0x4  }
0x63: {  	v63 =	vshll.u32 v3, $0x3  }
0x64: {  	v3 =	vand.u32 $0x7, v3;
	v4 =	vand.u32 $0xFFFFFFC0, v63  }
0x65: {  	v3 =	vor.u32 v3, v4  }
0x66: {  	v4 =	vperm.xlane v3, v0;
	_ =	sdelay $0x1  }
0x67: {  	v4 =	vadd.s32 v1, v4;
	_ =	sdelay $0x4  }
0x68: {  	[hbm4b:s3+s2] =	stream.indirect_vreg.scatter [tilespmem:s23], [sflag:$0x1], $0x80, v4, vm0, $0xb8;
	[tilespmem:$0x10080] =	vst v63  }
0x69: {  	v3 =	vperm.xlane v3, v2  }
0x6a: {  	[hbm4b:s4+s2] =	stream.indirect_vreg.scatter [tilespmem:s24], [sflag:$0x1], $0x80, v4, vm0, $0xb8;
	[tilespmem:$0x10080] =	vst v63  }
0x6b: {  	v3 =	vadd.s32 v1, v3  }
0x6c: {  	[hbm4b:s5+s2] =	stream.indirect_vreg.scatter [tilespmem:s25], [sflag:$0x1], $0x80, v4, vm0, $0xb8;
	[tilespmem:$0x10080] =	vst v63  }
0x6d: {  	_ = 	snop  }
0x6e: {  	[hbm4b:s6+s2] =	stream.indirect_vreg.scatter [tilespmem:s26], [sflag:$0x1], $0x80, v4, vm0, $0xb8;
	[tilespmem:$0x10080] =	vst v63  }
0x6f: {  	_ = 	snop  }
0x70: {  	[hbm4b:s3+s2] =	stream.indirect_vreg.scatter [tilespmem:s28], [sflag:$0x1], $0x80, v3, vm0, $0xb8;
	[tilespmem:$0x10080] =	vst v63  }
0x71: {  	_ = 	snop  }
0x72: {  	[hbm4b:s4+s2] =	stream.indirect_vreg.scatter [tilespmem:s29], [sflag:$0x1], $0x80, v3, vm0, $0xb8;
	[tilespmem:$0x10080] =	vst v63  }
0x73: {  	p0 =	sne.s32 s7, $0x1  }
0x74: {  	[hbm4b:s5+s2] =	stream.indirect_vreg.scatter [tilespmem:s30], [sflag:$0x1], $0x80, v3, vm0, $0xb8;
	[tilespmem:$0x10080] =	vst v63  }
.Ltmp0:
0x75: {  	_ = 	snop;
	(pc) =	sbr.rel @p0 .LBB2_1-.Ltmp0, $4  }
0x76: {  	[hbm4b:s6+s2] =	stream.indirect_vreg.scatter [tilespmem:s31], [sflag:$0x1], $0x80, v3, vm0, $0xb8;
	[tilespmem:$0x10080] =	vst v63  }
0x77: {  	_ =	swait.ge [sflag:s1], $0x10000  }
0x78: {  	[sflag:s1] =	ssyncset.done $0x0  }
0x79: {  	s7 =	sadd.s32 $0xFFFFFFFF, s7;
	[sflag:s1] =	ssyncadd.s32 $0xFFFF0000  }
0x7a: {  	_ =	sfence.sel $0x180000  }
0x7b: {  	[bflag:$0x0] =	sbarrier.arrive $0xFFFF  }
0x7c: {  	_ =	strace $0x90000047  }
0x7d: {  	s0 =	stileid.u32;
	[bflag:$0x2] =	sbarrier.arrive $0xFFFF  }
0x7e: {  	p0 =	sne.s32 s0, $0x0;
	s0 =	rddreg [dreg:$0x2]  }
0x7f: {  	s0 =	sadd.s32 @!p0 $0x100000, s0  }
0x80: {  	[sflag:s0] =	ssyncadd.tile.s32 @!p0 $0x1;
	_ =	shalt  }
.Lfunc_end2:
_tile_overlayer_lowered:
.L_overlay_start_2:
0x81: {  	(tag) =	ssettag $0x2  }
0x82: {  	s0 =	rddreg [dreg:$0x0];
	s2 =	stileid.u32  }
0x83: {  	s1 =	rddreg [dreg:$0x1];
	p0 =	sne.s32 s2, $0x0  }
0x84: {  	s3 =	rddreg [dreg:$0x2];
	[bflag:$0x3] =	sbarrier.arrive $0xFFFF;
	s2 =	simm.s32 @!p0 $0x1C02  }
0x85: {  	[timem:s3], [sflag:s2] =	dma.local @!p0 [hbm:s0], s1  }
0x86: {  	s0 =	simm.s32 @!p0 $0x2  }
0x87: {  	_ =	swait.ge @!p0 [sflag:s0], s1  }
0x88: {  	s1 =	ssub.s32 @!p0 $0x0, s1;
	[sflag:s0] =	ssyncset.done @!p0 $0x0  }
0x89: {  	[sflag:s0] =	ssyncadd.s32 @!p0 s1  }
0x8a: {  	[bflag:$0x3] =	sbarrier.arrive $0xFFFF  }
0x8b: {  	_ =	shalt  }

// kernel: kernel.9.cloned.1.call-start
scs
__scs_entry_jumppad:
0x0: {  	(pc) =	sbr.rel $0x88, $3  }
0x1: {  	(tag) =	ssettag $0x0;
	lr =	simm.s32 $0x1  }
0x2: {  	[smem:$0x3F9D] =	sst lr;
	_ =	strace $0xD0000000  }
0x3: {  	_ = 	snop  }
0x4: {  	_ = 	snop  }
0x5: {  	_ = 	snop  }
0x6: {  	_ = 	snop  }
0x7: {  	_ = 	snop  }
__scs_overlays_trampoline_lowered:
0x8: {  	[smem:$0x3FAC] =	sst s0  }
0x9: {  	[smem:$0x3FAD] =	sst s1  }
0xa: {  	[smem:$0x3FAE] =	sst s2  }
0xb: {  	[smem:$0x3FAF] =	sst s3  }
0xc: {  	[smem:$0x3FB0] =	sst s4  }
0xd: {  	[smem:$0x3FB1] =	sst s5  }
0xe: {  	[smem:$0x3FB2] =	sst s6  }
0xf: {  	[smem:$0x3FB3] =	sst s7  }
0x10: {  	[smem:$0x3FB4] =	sst s8  }
0x11: {  	[smem:$0x3FB5] =	sst s9;
	s0 =	simm.s32 @!p0 $0x0  }
0x12: {  	s1 =	sld [smem:$0x3F9B];
	s0 =	simm.s32 @p0 $0x1  }
0x13: {  	[smem:$0x3FB6] =	sst s0;
	s0 =	simm.s32 @!p1 $0x0  }
0x14: {  	s2 =	sld [smem:$0x3F9A];
	s0 =	simm.s32 @p1 $0x1  }
0x15: {  	[smem:$0x3FB7] =	sst s0;
	s0 =	simm.s32 @!p2 $0x0  }
0x16: {  	s3 =	sld [smem:$0x3FDB];
	s0 =	simm.s32 @p2 $0x1  }
0x17: {  	s4 =	simm.s32 $0x1BF5;
	[smem:$0x3FB9] =	sst s0  }
0x18: {  	s0 =	sld [smem:$0x3F9C];
	_ =	swait.ge [sflag:s4], $0x0  }
0x19: {  	s7 =	sld [smem:$0x3F9D]  }
0x1a: {  	s8 =	sadd.s32 $0xFFFFE003, lr  }
0x1b: {  	s9 =	sadd.s32 $0xFFFFFEF7, lr;
	s5 =	simm.s32 $0xFFFFFFFF;
	p2 =	slt.u32 s8, $0xFFFFF086  }
0x1c: {  	p1 =	slt.u32 s9, $0xF7A;
	s5 =	simm.s32 @!p2 $0x0  }
0x1d: {  	s5 =	simm.s32 @p1 $0x1;
	p0 =	seq.s32 s7, s2  }
0x1e: {  	s7 =	smul.u32 @!p0 $0xF7A, s2;
	p2 =	seq.s32 @!p0 s5, $0x0  }
0x1f: {  	s9 =	smul.u32 $0xF7A, s1;
	s8 =	simm.s32 @!p0 $0x1BF5;
	p2 =	por !p2, p0  }
0x20: {  	[sflag:s8] =	ssyncset.s32 @!p0 $0xFFFFF086;
	s6 =	sadd.s32 @!p0 s3, s7;
	s7 =	simm.s32 @!p0 $0x108  }
0x21: {  	s3 =	sadd.s32 s3, s9;
	s6 =	sadd.s32 @!p0 $0x88, s6;
	s7 =	simm.s32 @p2 $0x1082  }
0x22: {  	[simem:s7], [sflag:s8] =	dma.local @!p0 [hbm:s6], $0xF7A  }
0x23: {  	s9 =	sor.u32 $0xD0000000, s2;
	s6 =	simm.s32 $0x108;
	_ =	swait.ge @!p0 [sflag:s8], $0x0  }
0x24: {  	s3 =	sadd.s32 $0x88, s3;
	s6 =	simm.s32 @!p1 $0x1082;
	[sflag:s4] =	ssyncset.s32 $0xFFFFF086  }
0x25: {  	[simem:s6], [sflag:s4] =	dma.local [hbm:s3], $0xF7A  }
0x26: {  	[smem:$0x3F9D] =	sst s1;
	(tag) =	ssettag s2;
	_ =	strace s9  }
0x27: {  	s1 =	sld [smem:$0x3FAD]  }
0x28: {  	s2 =	sld [smem:$0x3FAE]  }
0x29: {  	s4 =	sld [smem:$0x3FB0]  }
0x2a: {  	p0 =	seq.s32 s5, $0x0;
	s5 =	sld [smem:$0x3FB1]  }
0x2b: {  	s6 =	sld [smem:$0x3FB2]  }
0x2c: {  	s7 =	sld [smem:$0x3FB3]  }
0x2d: {  	s3 =	simm.s32 $0x108;
	s8 =	sld [smem:$0x3FB4]  }
0x2e: {  	s3 =	simm.s32 @!p0 $0x1082;
	s9 =	sld [smem:$0x3FB5]  }
0x2f: {  	lr =	sadd.s32 s0, s3;
	s0 =	sld [smem:$0x3FAC]  }
0x30: {  	s3 =	sld [smem:$0x3FAF]  }
0x31: {  	[smem:$0x3FB8] =	sst s10  }
0x32: {  	s10 =	sld [smem:$0x3FB6];
	_ =	sdelay $0x3  }
0x33: {  	p0 =	seq.s32 s10, $0x1;
	s10 =	sld [smem:$0x3FB8];
	_ =	sdelay $0x3  }
0x34: {  	[smem:$0x3FB8] =	sst s10  }
0x35: {  	s10 =	sld [smem:$0x3FB7];
	_ =	sdelay $0x3  }
0x36: {  	p1 =	seq.s32 s10, $0x1;
	s10 =	sld [smem:$0x3FB8];
	_ =	sdelay $0x3  }
0x37: {  	[smem:$0x3FB8] =	sst s10  }
0x38: {  	s10 =	sld [smem:$0x3FB9]  }
0x39: {  	_ = 	snop;
	(pc) =	sbr.ind lr, $3  }
0x3a: {  	_ = 	snop  }
0x3b: {  	_ = 	snop  }
0x3c: {  	p2 =	seq.s32 s10, $0x1;
	s10 =	sld [smem:$0x3FB8]  }
0x3d: {  	_ =	shalt  }
0x3e: {  	_ =	shalt  }
0x3f: {  	_ =	shalt  }
0x40: {  	_ =	shalt  }
0x41: {  	_ =	shalt  }
0x42: {  	_ =	shalt  }
0x43: {  	_ =	shalt  }
0x44: {  	_ =	shalt  }
0x45: {  	_ =	shalt  }
0x46: {  	_ =	shalt  }
0x47: {  	_ =	shalt  }
0x48: {  	_ =	shalt  }
0x49: {  	_ =	shalt  }
0x4a: {  	_ =	shalt  }
0x4b: {  	_ =	shalt  }
0x4c: {  	_ =	shalt  }
0x4d: {  	_ =	shalt  }
0x4e: {  	_ =	shalt  }
0x4f: {  	_ =	shalt  }
0x50: {  	_ =	shalt  }
0x51: {  	_ =	shalt  }
0x52: {  	_ =	shalt  }
0x53: {  	_ =	shalt  }
0x54: {  	_ =	shalt  }
0x55: {  	_ =	shalt  }
0x56: {  	_ =	shalt  }
0x57: {  	_ =	shalt  }
0x58: {  	_ =	shalt  }
0x59: {  	_ =	shalt  }
0x5a: {  	_ =	shalt  }
0x5b: {  	_ =	shalt  }
0x5c: {  	_ =	shalt  }
0x5d: {  	_ =	shalt  }
0x5e: {  	_ =	shalt  }
0x5f: {  	_ =	shalt  }
0x60: {  	_ =	shalt  }
0x61: {  	_ =	shalt  }
0x62: {  	_ =	shalt  }
0x63: {  	_ =	shalt  }
0x64: {  	_ =	shalt  }
0x65: {  	_ =	shalt  }
0x66: {  	_ =	shalt  }
0x67: {  	_ =	shalt  }
0x68: {  	_ =	shalt  }
0x69: {  	_ =	shalt  }
0x6a: {  	_ =	shalt  }
0x6b: {  	_ =	shalt  }
0x6c: {  	_ =	shalt  }
0x6d: {  	_ =	shalt  }
0x6e: {  	_ =	shalt  }
0x6f: {  	_ =	shalt  }
0x70: {  	_ =	shalt  }
0x71: {  	_ =	shalt  }
0x72: {  	_ =	shalt  }
0x73: {  	_ =	shalt  }
0x74: {  	_ =	shalt  }
0x75: {  	_ =	shalt  }
0x76: {  	_ =	shalt  }
0x77: {  	_ =	shalt  }
0x78: {  	_ =	shalt  }
0x79: {  	_ =	shalt  }
0x7a: {  	_ =	shalt  }
0x7b: {  	_ =	shalt  }
0x7c: {  	_ =	shalt  }
0x7d: {  	_ =	shalt  }
0x7e: {  	_ =	shalt  }
0x7f: {  	_ =	shalt  }
0x80: {  	_ =	shalt  }
0x81: {  	_ =	shalt  }
0x82: {  	_ =	shalt  }
0x83: {  	_ =	shalt  }
0x84: {  	_ =	shalt  }
0x85: {  	_ =	shalt  }
0x86: {  	_ =	shalt  }
0x87: {  	_ =	shalt  }
.Lfunc_end0:
.L_simem_size_0:
called_computation.1_lowered:
.L_overlay_start_0:
0x88: {  	s2 =	sld [smem:$0x3FD9]  }
0x89: {  	s3 =	sld [smem:$0x3FFE];
	_ =	sdelay $0x1  }
0x8a: {  	s1 =	srdreg.scid  }
0x8b: {  	s0 =	sand.u32 $0x1, s1  }
0x8c: {  	s14 =	sshll.u32 s0, $0xA;
	s2 =	sadd.s32 s3, s2  }
0x8d: {  	s2 =	sadd.s32 s2, s14  }
0x8e: {  	[smem:$0x3FC4] =	sst s2  }
0x8f: {  	_ = 	snop  }
0x90: {  	s2 =	sld [smem:$0x3FD0];
	_ =	sdelay $0x2  }
0x91: {  	s15 =	simm.s32 $0xA;
	s4 =	simm.s32 $0x10  }
0x92: {  	[smem:s4], [sflag:s15] =	dma.local [hbm:s2], $0x1  }
0x93: {  	_ =	swait.eq [sflag:s15], $0x1  }
0x94: {  	[sflag:s15] =	ssyncset.done $0x0  }
0x95: {  	[sflag:s15] =	ssyncadd.s32 $0xFFFFFFFF  }
0x96: {  	s16 =	sld [smem:$0x10];
	(tm) =	ssettm $0x1  }
0x97: {  	s17 =	sld [smem:$0x3FFB];
	_ =	sdelay $0x3  }
0x98: {  	_ =	strace s17  }
0x99: {  	s3 =	sld [smem:$0x3FFC];
	_ =	sdelay $0x3  }
0x9a: {  	_ =	strace s3  }
0x9b: {  	s3 =	sld [smem:$0x3FFD];
	_ =	sdelay $0x3  }
0x9c: {  	_ =	strace s3  }
0x9d: {  	_ =	strace $0x8FFFFFFF  }
0x9e: {  	s18 =	sld [smem:$0x3FDB];
	_ =	sdelay $0x1  }
0x9f: {  	s19 =	simm.s32 $_scs_section_size  }
0xa0: {  	s5 =	simm.s32 $_size__tile_overlayer_lowered;
	s6 =	simm.s32 $_tile_overlayer_lowered  }
0xa1: {  	s22 =	simm.s32 $0x1BFF;
	s21 =	sshll.u32 s6, $0x1;
	s3 =	sadd.s32 s19, s18  }
0xa2: {  	s7 =	simm.s32 $0x0;
	s20 =	sshll.u32 s5, $0x1;
	s5 =	sadd.s32 s21, s3  }
0xa3: {  	[timem:s7], [sflag:s22] =	dma.local [hbm:s5], s20  }
0xa4: {  	_ =	swait.ge [sflag:s22], s20  }
0xa5: {  	s4 =	ssub.s32 $0x0, s20;
	[sflag:s22] =	ssyncset.done $0x0  }
0xa6: {  	[sflag:s22] =	ssyncadd.s32 s4;
	_ =	sdelay $0x1  }
0xa7: {  	s23 =	simm.s32 $0x1B8B  }
0xa8: {  	_ =	swait.ge [sflag:s23], $0x1  }
0xa9: {  	[sflag:s23] =	ssyncset.done $0x0  }
0xaa: {  	s25 =	simm.s32 $0x1B8E;
	s24 =	sld [smem:$0x3FFE];
	[sflag:s23] =	ssyncadd.s32 $0xFFFFFFFF  }
0xab: {  	s26 =	simm.s32 $execute0_lowered;
	[smem:$0x3FD2] =	sst s25  }
0xac: {  	s5 =	sshll.u32 s26, $0x1;
	_ =	strace $0x80000049;
	[dreg:$0x1] =	wrdreg $0xFFFFFFFF  }
0xad: {  	s28 =	simm.s32 $_size_execute0_lowered;
	s3 =	sadd.s32 s3, s5;
	[dreg:$0x0] =	wrdreg $0x0  }
0xae: {  	s5 =	sshll.u32 s28, $0x1;
	[dreg:$0x2] =	wrdreg s3  }
0xaf: {  	[dreg:$0x3] =	wrdreg s5  }
0xb0: {  	[dreg:$0x4] =	wrdreg $0xC0  }
0xb1: {  	_ =	task [dreg:s7], $0x5FFFF  }
0xb2: {  	[dreg:$0x1] =	wrdreg $0xFFFFFFFF  }
0xb3: {  	[dreg:$0x0] =	wrdreg $0x60  }
0xb4: {  	[dreg:$0x2] =	wrdreg s24  }
0xb5: {  	[dreg:$0x3] =	wrdreg s16  }
0xb6: {  	[dreg:$0x4] =	wrdreg $0x9  }
0xb7: {  	_ =	task.clear_ibuf [dreg:s7], $0x5FFFF;
	_ =	strace $0x90000049  }
0xb8: {  	s29 =	simm.s32 $0x9;
	_ =	strace $0x8000004B  }
0xb9: {  	_ =	swait.ge [sflag:s29], $0x1  }
0xba: {  	[sflag:s29] =	ssyncadd.s32 $0xFFFFFFFF  }
0xbb: {  	_ =	strace $0x9000004B  }
0xbc: {  	_ =	sfence  }
0xbd: {  	s30 =	sld [smem:$0x0];
	_ =	sdelay $0x2  }
0xbe: {  	s31 =	sshll.u32 s1, $0xD;
	s1 =	sshrl.u32 s1, $0x2  }
0xbf: {  	s3 =	sand.u32 $0x4000, s31;
	s1 =	sadd.s32 s1, s30  }
0xc0: {  	s0 =	sor.u32 s3, s0;
	s1 =	sshll.u32 s1, $0x11  }
0xc1: {  	s0 =	sor.u32 s1, s0  }
0xc2: {  	s0 =	sadd.s32 $0x8F2B, s0  }
0xc3: {  	[sflag:s0] =	ssyncadd.remote.s32 $0x1  }
0xc4: {  	_ =	sfence.sel $0xFFFF  }
0xc5: {  	[dreg:$0x0] =	wrdreg $0xFFFFFFFF;
	(pc) =	sbr.abs _section_cstart, $3  }
0xc6: {  	[dreg:$0x1] =	wrdreg $0xFFFFFFFF  }
0xc7: {  	_ =	task.clear_ibuf [dreg:s7], $0x2FFFF;
	_ =	strace $0x9FFFFFFF  }
0xc8: {  	(tm) =	ssettm $0x7FFFFFFF  }
0xc9: {  	_ =	shalt  }
tec
execute0_lowered:
.L_overlay_start_1:
0x0: {  	(tag) =	ssettag $0x1  }
0x1: {  	s1 =	srdreg.scid  }
0x2: {  	s0 =	stileid.u32;
	s6 =	rddreg [dreg:$0x0]  }
0x3: {  	s4 =	rddreg [dreg:$0x1];
	s18 =	simm.s32 $0x880;
	s19 =	simm.s32 $0x1080  }
0x4: {  	s20 =	simm.s32 $0x1880;
	s22 =	simm.s32 $0x2080;
	s23 =	simm.s32 $0x2880  }
0x5: {  	s7 =	simm.s32 $0x3080;
	s24 =	simm.s32 $0x3880;
	s8 =	simm.s32 $0x4080  }
0x6: {  	s25 =	simm.s32 $0x4880;
	s26 =	simm.s32 $0x5080;
	s1 =	sand.u32 $0x1, s1  }
0x7: {  	s9 =	simm.s32 $0x80;
	s2 =	sshll.u32 s0, $0x7;
	s3 =	sshll.u32 s1, $0x6  }
0x8: {  	s11 =	simm.s32 $0x6080;
	s3 =	sor.u32 s3, s2;
	s2 =	simm.s32 $0x0  }
0x9: {  	s12 =	simm.s32 $0x6880;
	s13 =	simm.s32 $0x7080;
	[smem:$0x7FF] =	sst s2  }
0xa: {  	s14 =	simm.s32 $0x7880;
	_ =	strace $0x8000004A;
	[dreg:$0x5] =	wrdreg s18  }
0xb: {  	s15 =	simm.s32 $0x8080;
	s16 =	simm.s32 $0x8880;
	[dreg:$0x6] =	wrdreg s19  }
0xc: {  	s17 =	simm.s32 $0x9080;
	s28 =	simm.s32 $0xE080;
	[dreg:$0x7] =	wrdreg s20  }
0xd: {  	s29 =	simm.s32 $0xE880;
	s30 =	simm.s32 $0xF080;
	[dreg:$0x8] =	wrdreg s22  }
0xe: {  	s31 =	simm.s32 $0xF880;
	s1 =	ssub.s32 $0x2, s1;
	[dreg:$0x9] =	wrdreg s23  }
0xf: {  	s21 =	sshrl.u32 s1, $0x1;
	s5 =	sshrl.u32 s3, $0x3;
	[dreg:$0xa] =	wrdreg s7  }
0x10: {  	s3 =	sshll.u32 s3, $0x7;
	s1 =	ssub.s32 s1, s21;
	[dreg:$0xb] =	wrdreg s24  }
0x11: {  	s21 =	simm.s32 $0xB080;
	s5 =	sadd.s32 s5, s6;
	[dreg:$0xc] =	wrdreg s8  }
0x12: {  	s3 =	sadd.s32 s4, s3;
	s4 =	sadd.s32 $0x61500, s6;
	[dreg:$0xd] =	wrdreg s25  }
0x13: {  	s7 =	smax.u32 s1, $0x1;
	s8 =	simm.s32 $0x2;
	[dreg:$0xe] =	wrdreg s26  }
0x14: {  	s18 =	simm.s32 $0x9880;
	s19 =	simm.s32 $0xA080;
	s20 =	simm.s32 $0xA880  }
0x15: {  	s22 =	simm.s32 $0xB880;
	s23 =	simm.s32 $0xC080;
	s24 =	simm.s32 $0xC880  }
0x16: {  	v2 =	vlaneseq.u32;
	s25 =	simm.s32 $0xD080;
	s26 =	simm.s32 $0xD880;
	s1 =	simm.s32 $0x1  }
0x17: {  	vm0 =	vmmov $0xffff;
	v1 =	vshrl.u32 v2, $0x3;
	s5 =	sadd.s32 $0x1200, s5;
	[dreg:$0x4] =	wrdreg s3;
	s3 =	sadd.s32 $0x61400, s6  }
0x18: {  	v0 =	vand.u32 $0x7, v2;
	v2 =	vor.u32 $0x8, v2;
	v1 =	vmul.u32 $0x8, v1;
	[dreg:$0x3] =	wrdreg s5;
	s5 =	sadd.s32 $0x61600, s6;
	s6 =	sadd.s32 $0x61700, s6  }
.LBB2_1:
0x19: {  	s0 =	rddreg [dreg:$0x3]  }
0x1a: {  	[tilespmem:s2], [sflag:$0x2] =	stream.linear.gather [hbm4b:s0+s2], $0x40, $0x38;
	[tilespmem:$0x10080] =	vst v63  }
0x1b: {  	_ =	swait.ge [sflag:s8], $0x40  }
0x1c: {  	[sflag:s8] =	ssyncset.done $0x0  }
0x1d: {  	[sflag:s8] =	ssyncadd.s32 $0xFFFFFFC0  }
0x1e: {  	v3 =	vld [tilespmem:$0x0];
	_ =	sdelay $0x4  }
0x1f: {  	v4 =	vshll.u32 v3, $0x3  }
0x20: {  	v3 =	vand.u32 $0x7, v3;
	v4 =	vand.u32 $0xFFFFFFC0, v4  }
0x21: {  	v3 =	vor.u32 v3, v4  }
0x22: {  	v4 =	vperm.xlane v3, v0;
	_ =	sdelay $0x1  }
0x23: {  	v4 =	vadd.s32 v1, v4;
	_ =	sdelay $0x4  }
0x24: {  	[tilespmem:s9], [sflag:$0x1] =	stream.indirect_vreg.gather [hbm4b:s3+s2], $0x80, v4, vm0, $0xb8;
	[tilespmem:$0x10080] =	vst v63  }
0x25: {  	s0 =	rddreg [dreg:$0x5];
	v3 =	vperm.xlane v3, v2  }
0x26: {  	[tilespmem:s0], [sflag:$0x1] =	stream.indirect_vreg.gather [hbm4b:s4+s2], $0x80, v4, vm0, $0xb8;
	[tilespmem:$0x10080] =	vst v63  }
0x27: {  	s10 =	rddreg [dreg:$0x6];
	v3 =	vadd.s32 v1, v3  }
0x28: {  	[tilespmem:s10], [sflag:$0x1] =	stream.indirect_vreg.gather [hbm4b:s5+s2], $0x80, v4, vm0, $0xb8;
	[tilespmem:$0x10080] =	vst v63  }
0x29: {  	s0 =	rddreg [dreg:$0x7]  }
0x2a: {  	[tilespmem:s0], [sflag:$0x1] =	stream.indirect_vreg.gather [hbm4b:s6+s2], $0x80, v4, vm0, $0xb8;
	[tilespmem:$0x10080] =	vst v63  }
0x2b: {  	s10 =	rddreg [dreg:$0x8]  }
0x2c: {  	[tilespmem:s10], [sflag:$0x1] =	stream.indirect_vreg.gather [hbm4b:s3+s2], $0x80, v3, vm0, $0xb8;
	[tilespmem:$0x10080] =	vst v63  }
0x2d: {  	s0 =	rddreg [dreg:$0x9]  }
0x2e: {  	[tilespmem:s0], [sflag:$0x1] =	stream.indirect_vreg.gather [hbm4b:s4+s2], $0x80, v3, vm0, $0xb8;
	[tilespmem:$0x10080] =	vst v63  }
0x2f: {  	s10 =	rddreg [dreg:$0xa]  }
0x30: {  	[tilespmem:s10], [sflag:$0x1] =	stream.indirect_vreg.gather [hbm4b:s5+s2], $0x80, v3, vm0, $0xb8;
	[tilespmem:$0x10080] =	vst v63  }
0x31: {  	s0 =	rddreg [dreg:$0xb]  }
0x32: {  	[tilespmem:s0], [sflag:$0x1] =	stream.indirect_vreg.gather [hbm4b:s6+s2], $0x80, v3, vm0, $0xb8;
	[tilespmem:$0x10080] =	vst v63  }
0x33: {  	v3 =	vld [tilespmem:$0x10];
	_ =	sdelay $0x4  }
0x34: {  	v61 =	vshll.u32 v3, $0x3  }
0x35: {  	v3 =	vand.u32 $0x7, v3;
	v4 =	vand.u32 $0xFFFFFFC0, v61  }
0x36: {  	v3 =	vor.u32 v3, v4  }
0x37: {  	v4 =	vperm.xlane v3, v0;
	_ =	sdelay $0x1  }
0x38: {  	v4 =	vadd.s32 v1, v4;
	_ =	sdelay $0x3  }
0x39: {  	s0 =	rddreg [dreg:$0xc]  }
0x3a: {  	[tilespmem:s0], [sflag:$0x1] =	stream.indirect_vreg.gather [hbm4b:s3+s2], $0x80, v4, vm0, $0xb8;
	[tilespmem:$0x10080] =	vst v63  }
0x3b: {  	s10 =	rddreg [dreg:$0xd];
	v3 =	vperm.xlane v3, v2  }
0x3c: {  	[tilespmem:s10], [sflag:$0x1] =	stream.indirect_vreg.gather [hbm4b:s4+s2], $0x80, v4, vm0, $0xb8;
	[tilespmem:$0x10080] =	vst v63  }
0x3d: {  	v3 =	vadd.s32 v1, v3;
	s0 =	rddreg [dreg:$0xe]  }
0x3e: {  	[tilespmem:s0], [sflag:$0x1] =	stream.indirect_vreg.gather [hbm4b:s5+s2], $0x80, v4, vm0, $0xb8;
	[tilespmem:$0x10080] =	vst v63  }
0x3f: {  	s10 =	simm.s32 $0x5880  }
0x40: {  	[tilespmem:s10], [sflag:$0x1] =	stream.indirect_vreg.gather [hbm4b:s6+s2], $0x80, v4, vm0, $0xb8;
	[tilespmem:$0x10080] =	vst v63  }
0x41: {  	_ = 	snop  }
0x42: {  	[tilespmem:s11], [sflag:$0x1] =	stream.indirect_vreg.gather [hbm4b:s3+s2], $0x80, v3, vm0, $0xb8;
	[tilespmem:$0x10080] =	vst v63  }
0x43: {  	_ = 	snop  }
0x44: {  	[tilespmem:s12], [sflag:$0x1] =	stream.indirect_vreg.gather [hbm4b:s4+s2], $0x80, v3, vm0, $0xb8;
	[tilespmem:$0x10080] =	vst v63  }
0x45: {  	_ = 	snop  }
0x46: {  	[tilespmem:s13], [sflag:$0x1] =	stream.indirect_vreg.gather [hbm4b:s5+s2], $0x80, v3, vm0, $0xb8;
	[tilespmem:$0x10080] =	vst v63  }
0x47: {  	_ = 	snop  }
0x48: {  	[tilespmem:s14], [sflag:$0x1] =	stream.indirect_vreg.gather [hbm4b:s6+s2], $0x80, v3, vm0, $0xb8;
	[tilespmem:$0x10080] =	vst v63  }
0x49: {  	v3 =	vld [tilespmem:$0x20];
	_ =	sdelay $0x4  }
0x4a: {  	v62 =	vshll.u32 v3, $0x3  }
0x4b: {  	v3 =	vand.u32 $0x7, v3;
	v4 =	vand.u32 $0xFFFFFFC0, v62  }
0x4c: {  	v3 =	vor.u32 v3, v4  }
0x4d: {  	v4 =	vperm.xlane v3, v0;
	_ =	sdelay $0x1  }
0x4e: {  	v4 =	vadd.s32 v1, v4;
	_ =	sdelay $0x4  }
0x4f: {  	[tilespmem:s15], [sflag:$0x1] =	stream.indirect_vreg.gather [hbm4b:s3+s2], $0x80, v4, vm0, $0xb8;
	[tilespmem:$0x10080] =	vst v63  }
0x50: {  	v3 =	vperm.xlane v3, v2  }
0x51: {  	[tilespmem:s16], [sflag:$0x1] =	stream.indirect_vreg.gather [hbm4b:s4+s2], $0x80, v4, vm0, $0xb8;
	[tilespmem:$0x10080] =	vst v63  }
0x52: {  	v3 =	vadd.s32 v1, v3  }
0x53: {  	[tilespmem:s17], [sflag:$0x1] =	stream.indirect_vreg.gather [hbm4b:s5+s2], $0x80, v4, vm0, $0xb8;
	[tilespmem:$0x10080] =	vst v63  }
0x54: {  	_ = 	snop  }
0x55: {  	[tilespmem:s18], [sflag:$0x1] =	stream.indirect_vreg.gather [hbm4b:s6+s2], $0x80, v4, vm0, $0xb8;
	[tilespmem:$0x10080] =	vst v63  }
0x56: {  	_ = 	snop  }
0x57: {  	[tilespmem:s19], [sflag:$0x1] =	stream.indirect_vreg.gather [hbm4b:s3+s2], $0x80, v3, vm0, $0xb8;
	[tilespmem:$0x10080] =	vst v63  }
0x58: {  	_ = 	snop  }
0x59: {  	[tilespmem:s20], [sflag:$0x1] =	stream.indirect_vreg.gather [hbm4b:s4+s2], $0x80, v3, vm0, $0xb8;
	[tilespmem:$0x10080] =	vst v63  }
0x5a: {  	_ = 	snop  }
0x5b: {  	[tilespmem:s21], [sflag:$0x1] =	stream.indirect_vreg.gather [hbm4b:s5+s2], $0x80, v3, vm0, $0xb8;
	[tilespmem:$0x10080] =	vst v63  }
0x5c: {  	_ = 	snop  }
0x5d: {  	[tilespmem:s22], [sflag:$0x1] =	stream.indirect_vreg.gather [hbm4b:s6+s2], $0x80, v3, vm0, $0xb8;
	[tilespmem:$0x10080] =	vst v63  }
0x5e: {  	v3 =	vld [tilespmem:$0x30];
	_ =	sdelay $0x4  }
0x5f: {  	v63 =	vshll.u32 v3, $0x3  }
0x60: {  	v3 =	vand.u32 $0x7, v3;
	v4 =	vand.u32 $0xFFFFFFC0, v63  }
0x61: {  	v3 =	vor.u32 v3, v4  }
0x62: {  	v4 =	vperm.xlane v3, v0;
	_ =	sdelay $0x1  }
0x63: {  	v4 =	vadd.s32 v1, v4;
	_ =	sdelay $0x4  }
0x64: {  	[tilespmem:s23], [sflag:$0x1] =	stream.indirect_vreg.gather [hbm4b:s3+s2], $0x80, v4, vm0, $0xb8;
	[tilespmem:$0x10080] =	vst v63  }
0x65: {  	v3 =	vperm.xlane v3, v2  }
0x66: {  	[tilespmem:s24], [sflag:$0x1] =	stream.indirect_vreg.gather [hbm4b:s4+s2], $0x80, v4, vm0, $0xb8;
	[tilespmem:$0x10080] =	vst v63  }
0x67: {  	v3 =	vadd.s32 v1, v3  }
0x68: {  	[tilespmem:s25], [sflag:$0x1] =	stream.indirect_vreg.gather [hbm4b:s5+s2], $0x80, v4, vm0, $0xb8;
	[tilespmem:$0x10080] =	vst v63  }
0x69: {  	_ = 	snop  }
0x6a: {  	[tilespmem:s26], [sflag:$0x1] =	stream.indirect_vreg.gather [hbm4b:s6+s2], $0x80, v4, vm0, $0xb8;
	[tilespmem:$0x10080] =	vst v63  }
0x6b: {  	_ = 	snop  }
0x6c: {  	[tilespmem:s28], [sflag:$0x1] =	stream.indirect_vreg.gather [hbm4b:s3+s2], $0x80, v3, vm0, $0xb8;
	[tilespmem:$0x10080] =	vst v63  }
0x6d: {  	_ = 	snop  }
0x6e: {  	[tilespmem:s29], [sflag:$0x1] =	stream.indirect_vreg.gather [hbm4b:s4+s2], $0x80, v3, vm0, $0xb8;
	[tilespmem:$0x10080] =	vst v63  }
0x6f: {  	_ = 	snop  }
0x70: {  	[tilespmem:s30], [sflag:$0x1] =	stream.indirect_vreg.gather [hbm4b:s5+s2], $0x80, v3, vm0, $0xb8;
	[tilespmem:$0x10080] =	vst v63  }
0x71: {  	_ = 	snop  }
0x72: {  	[tilespmem:s31], [sflag:$0x1] =	stream.indirect_vreg.gather [hbm4b:s6+s2], $0x80, v3, vm0, $0xb8;
	[tilespmem:$0x10080] =	vst v63  }
0x73: {  	_ =	swait.ge [sflag:s1], $0x10000  }
0x74: {  	p0 =	sne.s32 s7, $0x1;
	[sflag:s1] =	ssyncset.done $0x0  }
.Ltmp0:
0x75: {  	s10 =	rddreg [dreg:$0x4];
	[sflag:s1] =	ssyncadd.s32 $0xFFFF0000;
	(pc) =	sbr.rel @p0 .LBB2_1-.Ltmp0, $4  }
0x76: {  	[hbm4b:s10+s2] =	stream.linear.scatter [tilespmem:s9], [sflag:$0x2], $0x10000, $0x38;
	[tilespmem:$0x10080] =	vst v63  }
0x77: {  	_ =	swait.ge [sflag:s8], $0x10000  }
0x78: {  	[sflag:s8] =	ssyncset.done $0x0  }
0x79: {  	s7 =	sadd.s32 $0xFFFFFFFF, s7;
	[sflag:s8] =	ssyncadd.s32 $0xFFFF0000  }
0x7a: {  	_ =	sfence.sel $0x180000  }
0x7b: {  	[bflag:$0x0] =	sbarrier.arrive $0xFFFF  }
0x7c: {  	_ =	strace $0x9000004A  }
0x7d: {  	s0 =	stileid.u32;
	[bflag:$0x2] =	sbarrier.arrive $0xFFFF  }
0x7e: {  	p0 =	sne.s32 s0, $0x0;
	s0 =	rddreg [dreg:$0x2]  }
0x7f: {  	s0 =	sadd.s32 @!p0 $0x100000, s0  }
0x80: {  	[sflag:s0] =	ssyncadd.tile.s32 @!p0 $0x1;
	_ =	shalt  }
.Lfunc_end2:
_tile_overlayer_lowered:
.L_overlay_start_2:
0x81: {  	(tag) =	ssettag $0x2  }
0x82: {  	s0 =	rddreg [dreg:$0x0];
	s2 =	stileid.u32  }
0x83: {  	s1 =	rddreg [dreg:$0x1];
	p0 =	sne.s32 s2, $0x0  }
0x84: {  	s3 =	rddreg [dreg:$0x2];
	[bflag:$0x3] =	sbarrier.arrive $0xFFFF;
	s2 =	simm.s32 @!p0 $0x1C02  }
0x85: {  	[timem:s3], [sflag:s2] =	dma.local @!p0 [hbm:s0], s1  }
0x86: {  	s0 =	simm.s32 @!p0 $0x2  }
0x87: {  	_ =	swait.ge @!p0 [sflag:s0], s1  }
0x88: {  	s1 =	ssub.s32 @!p0 $0x0, s1;
	[sflag:s0] =	ssyncset.done @!p0 $0x0  }
0x89: {  	[sflag:s0] =	ssyncadd.s32 @!p0 s1  }
0x8a: {  	[bflag:$0x3] =	sbarrier.arrive $0xFFFF  }
0x8b: {  	_ =	shalt  }

</sc_bundles>
